<compile_context>
chip_gen: v7x
topology: tpu7x:2x2x1
jax: 0.10.2.dev20260603
libtpu: 0.0.44.dev20260713+nightly
codegen_flags: <defaults>
</compile_context>

<pallas_src>
import functools
import jax
import jax.numpy as jnp
from jax import lax
from jax.experimental import pallas as pl
from jax.experimental.pallas import tpu as pltpu
from jax.experimental.pallas import tpu_sc as plsc

N = 10000
E = 320000
D = 128
NC = 2
NS = 16
NW = NC * NS
EPW = E // NW
CH = 128
NFULL = EPW // CH
TAIL = EPW - NFULL * CH
RPS = 624
RTAIL = N - NS * RPS

_mesh = plsc.VectorSubcoreMesh(core_axis_name="c", subcore_axis_name="s")


@functools.partial(
    pl.kernel,
    out_type=jax.ShapeDtypeStruct((NC * N,), jnp.float32),
    mesh=_mesh,
    scratch_types=[
        pltpu.VMEM((CH,), jnp.int32),
        pltpu.VMEM((CH,), jnp.float32),
        pltpu.VMEM((TAIL,), jnp.int32),
        pltpu.VMEM((TAIL,), jnp.float32),
        pltpu.VMEM((RPS,), jnp.float32),
        pltpu.VMEM_SHARED((N,), jnp.float32),
    ],
)
def _sc_degree(col_hbm, deg_hbm, cidx, ones_v, cidx_t, ones_t, zb, acc):
    c = lax.axis_index("c")
    s = lax.axis_index("s")
    wid = s * NC + c

    for i in range(RPS // 16):
        zb[pl.ds(i * 16, 16)] = jnp.zeros((16,), jnp.float32)
    for i in range(CH // 16):
        ones_v[pl.ds(i * 16, 16)] = jnp.ones((16,), jnp.float32)
    for i in range(TAIL // 16):
        ones_t[pl.ds(i * 16, 16)] = jnp.ones((16,), jnp.float32)

    pltpu.sync_copy(zb, acc.at[pl.ds(s * RPS, RPS)])

    @pl.when(s == 0)
    def _():
        pltpu.sync_copy(zb.at[pl.ds(0, RTAIL)], acc.at[pl.ds(NS * RPS, RTAIL)])

    plsc.subcore_barrier()

    base = wid * EPW

    @pl.loop(0, NFULL)
    def _(i):
        pltpu.sync_copy(col_hbm.at[pl.ds(base + i * CH, CH)], cidx)
        pltpu.sync_copy(ones_v, acc.at[cidx], add=True)

    pltpu.sync_copy(col_hbm.at[pl.ds(base + NFULL * CH, TAIL)], cidx_t)
    pltpu.sync_copy(ones_t, acc.at[cidx_t], add=True)

    plsc.subcore_barrier()
    pltpu.sync_copy(acc.at[pl.ds(s * RPS, RPS)], zb)
    pltpu.sync_copy(zb, deg_hbm.at[pl.ds(c * N + s * RPS, RPS)])

    @pl.when(s == 0)
    def _():
        pltpu.sync_copy(acc.at[pl.ds(NS * RPS, RTAIL)], ones_t)
        pltpu.sync_copy(ones_t, deg_hbm.at[pl.ds(c * N + NS * RPS, RTAIL)])


@functools.partial(
    pl.kernel,
    out_type=jax.ShapeDtypeStruct((NC, N, D), jnp.float32),
    mesh=_mesh,
    scratch_types=[
        [pltpu.VMEM((CH,), jnp.int32)] * 2,
        [pltpu.VMEM((CH,), jnp.int32)] * 2,
        [pltpu.VMEM((CH, D), jnp.float32)] * 2,
        pltpu.VMEM((TAIL,), jnp.int32),
        pltpu.VMEM((TAIL,), jnp.int32),
        pltpu.VMEM((TAIL, D), jnp.float32),
        pltpu.VMEM_SHARED((N, D), jnp.float32),
        [pltpu.SemaphoreType.DMA] * 2,
    ],
)
def _sc_scatter(row_hbm, col_hbm, h_hbm, zeros_hbm, out_hbm, ridx, cidx, rows,
                ridx_t, cidx_t, rows_t, acc, sem):
    c = lax.axis_index("c")
    s = lax.axis_index("s")
    wid = s * NC + c

    pltpu.sync_copy(zeros_hbm.at[pl.ds(s * RPS, RPS)],
                    acc.at[pl.ds(s * RPS, RPS)])

    @pl.when(s == 0)
    def _():
        pltpu.sync_copy(zeros_hbm.at[pl.ds(NS * RPS, RTAIL)],
                        acc.at[pl.ds(NS * RPS, RTAIL)])

    plsc.subcore_barrier()

    base = wid * EPW

    @pl.loop(0, NFULL // 2)
    def _(k):
        i = 2 * k
        pltpu.sync_copy(row_hbm.at[pl.ds(base + i * CH, CH)], ridx[0])
        pltpu.sync_copy(col_hbm.at[pl.ds(base + i * CH, CH)], cidx[0])
        pltpu.sync_copy(row_hbm.at[pl.ds(base + (i + 1) * CH, CH)], ridx[1])
        pltpu.sync_copy(col_hbm.at[pl.ds(base + (i + 1) * CH, CH)], cidx[1])
        d0 = pltpu.async_copy(h_hbm.at[ridx[0]], rows[0], sem[0])
        d1 = pltpu.async_copy(h_hbm.at[ridx[1]], rows[1], sem[1])
        d0.wait()
        pltpu.sync_copy(rows[0], acc.at[cidx[0]], add=True)
        d1.wait()
        pltpu.sync_copy(rows[1], acc.at[cidx[1]], add=True)

    pltpu.sync_copy(row_hbm.at[pl.ds(base + NFULL * CH, TAIL)], ridx_t)
    pltpu.sync_copy(col_hbm.at[pl.ds(base + NFULL * CH, TAIL)], cidx_t)
    pltpu.async_copy(h_hbm.at[ridx_t], rows_t, sem[0]).wait()
    pltpu.sync_copy(rows_t, acc.at[cidx_t], add=True)

    plsc.subcore_barrier()
    pltpu.sync_copy(acc.at[pl.ds(s * RPS, RPS)],
                    out_hbm.at[c, pl.ds(s * RPS, RPS)])

    @pl.when(s == 0)
    def _():
        pltpu.sync_copy(acc.at[pl.ds(NS * RPS, RTAIL)],
                        out_hbm.at[c, pl.ds(NS * RPS, RTAIL)])


_RB = 1000


def _mm_body(x_ref, w_ref, d0_ref, d1_ref, h_ref):
    deg = d0_ref[0, 0, :] + d1_ref[0, 0, :] + 1.0
    dinv = lax.rsqrt(deg)
    h = jnp.dot(x_ref[...], w_ref[...], preferred_element_type=jnp.float32)
    h_ref[...] = h * dinv[:, None]


def _fin_body(p_ref, h_ref, d0_ref, d1_ref, b_ref, o_ref):
    deg = d0_ref[0, 0, :] + d1_ref[0, 0, :] + 1.0
    dinv = lax.rsqrt(deg)
    t = (p_ref[0] + p_ref[1] + h_ref[...]) * dinv[:, None] + b_ref[...]
    o_ref[...] = jnp.where(t >= 0, t, 0.2 * t)


def kernel(x, edge_index, W, b):
    row = edge_index[0]
    col = edge_index[1]
    zeros_nd = jnp.zeros((N, D), jnp.float32)

    degflat = _sc_degree(col)
    d0 = degflat[:N].reshape(N // _RB, 1, _RB)
    d1 = degflat[N:].reshape(N // _RB, 1, _RB)

    dspec = pl.BlockSpec((1, 1, _RB), lambda i: (i, 0, 0))
    h = pl.pallas_call(
        _mm_body,
        grid=(N // _RB,),
        in_specs=[
            pl.BlockSpec((_RB, D), lambda i: (i, 0)),
            pl.BlockSpec((D, D), lambda i: (0, 0)),
            dspec,
            dspec,
        ],
        out_specs=pl.BlockSpec((_RB, D), lambda i: (i, 0)),
        out_shape=jax.ShapeDtypeStruct((N, D), jnp.float32),
    )(x, W, d0, d1)

    partial = _sc_scatter(row, col, h, zeros_nd)

    out = pl.pallas_call(
        _fin_body,
        grid=(N // _RB,),
        in_specs=[
            pl.BlockSpec((NC, _RB, D), lambda i: (0, i, 0)),
            pl.BlockSpec((_RB, D), lambda i: (i, 0)),
            dspec,
            dspec,
            pl.BlockSpec((1, D), lambda i: (0, 0)),
        ],
        out_specs=pl.BlockSpec((_RB, D), lambda i: (i, 0)),
        out_shape=jax.ShapeDtypeStruct((N, D), jnp.float32),
    )(partial, h, d0, d1, b.reshape(1, D))

    return out

# --- scband reference (transcript-rebuilt; emitter-appended) ---
"""Pipeline reference for scband-gcnlayer-89103391522827 (READ-ONLY COPY).

The authoritative reference and input builder live on the scoring server;
editing this copy changes nothing except your own understanding.
"""

import jax, jax.numpy as jnp
import numpy as np

N_NODES = 10000
N_EDGES = 320000
D_IN = 128
D_OUT = 128


def setup_inputs(seed: int = 0) -> dict:
    key = jax.random.key(seed)
    k1, k2, k3, k4 = jax.random.split(key, 4)
    x = jax.random.normal(k1, (N_NODES, D_IN), dtype=jnp.float32)
    edge_index = jax.random.randint(k2, (2, N_EDGES), 0, N_NODES, dtype=jnp.int32)
    # GCNConv learned params: weight [D_IN, D_OUT] (glorot-ish) and bias [D_OUT]
    W = jax.random.normal(k3, (D_IN, D_OUT), dtype=jnp.float32) * (1.0 / np.sqrt(D_IN))
    b = jnp.zeros((D_OUT,), dtype=jnp.float32)
    return {"x": x, "edge_index": edge_index, "W": W, "b": b}


def reference(x, edge_index, W, b):
    # Faithful GCNConv: add self-loops, symmetric normalization, linear transform,
    # scatter-add aggregation, bias; then LeakyReLU(0.2) from GCNLayer.forward.
    row = edge_index[0]
    col = edge_index[1]
    loop = jnp.arange(N_NODES, dtype=row.dtype)
    row = jnp.concatenate([row, loop])
    col = jnp.concatenate([col, loop])
    # degree on destination nodes (in-degree incl. self-loops)
    deg = jnp.zeros((N_NODES,), dtype=jnp.float32).at[col].add(1.0)
    deg_inv_sqrt = jnp.where(deg > 0, jax.lax.rsqrt(deg), 0.0)
    norm = deg_inv_sqrt[row] * deg_inv_sqrt[col]
    h = x @ W
    msg = h[row] * norm[:, None]
    out = jax.ops.segment_sum(msg, col, num_segments=N_NODES)
    out = out + b
    # F.leaky_relu(x, negative_slope=0.2)
    out = jnp.where(out >= 0, out, 0.2 * out)
    return out

if __name__ == "__main__":
    import jax
    _d = setup_inputs()
    print(jax.jit(kernel)(*tuple(_d.values())))

</pallas_src>

<mosaic_0001>
#map = affine_map<(d0, d1) -> (0)>
module attributes {stable_mosaic.version = 14 : i64} {
  func.func @_sc_degree(%arg0: i32, %arg1: i32, %arg2: memref<320000xi32, #tpu.memory_space<hbm>>, %arg3: memref<20000xf32, #tpu.memory_space<hbm>>, %arg4: memref<128xi32, #tpu.memory_space<vmem>>, %arg5: memref<128xf32, #tpu.memory_space<vmem>>, %arg6: memref<16xi32, #tpu.memory_space<vmem>>, %arg7: memref<16xf32, #tpu.memory_space<vmem>>, %arg8: memref<624xf32, #tpu.memory_space<vmem>>, %arg9: memref<10000xf32, #tpu.memory_space<vmem_shared>>) attributes {dimension_semantics = [#tpu.dimension_semantics<core_parallel>, #tpu.dimension_semantics<subcore_parallel>], iteration_bounds = array<i64: 2, 16>, scalar_prefetch = 0 : i64, scratch_operands = 6 : i64, tpu.core_type = #tpu.core_type<sc_vector_subcore>, window_params = [{transform_indices = #map}, {transform_indices = #map}]} {
    %mul3A = arith.constant 2 : i32
    %mul3A_0 = arith.muli %arg1, %mul3A : i32
    %add3A = arith.addi %mul3A_0, %arg0 : i32
    %broadcast_in_dim3A = arith.constant 0.000000e+00 : f32
    %broadcast_in_dim3A_1 = vector.broadcast %broadcast_in_dim3A : f32 to vector<16xf32>
    %swap3A = arith.constant 0 : index
    %swap3A_2 = tpu.vector_load %arg8[%swap3A] {strides = array<i32>} : memref<624xf32, #tpu.memory_space<vmem>>, vector<16xf32>,
    %swap3A_3 = vector.shape_cast %swap3A_2 : vector<16xf32> to vector<16xf32>
    %swap3A_4 = vector.shape_cast %broadcast_in_dim3A_1 : vector<16xf32> to vector<16xf32>
    tpu.vector_store %arg8[%swap3A], %swap3A_4 {strides = array<i32>} : memref<624xf32, #tpu.memory_space<vmem>>, vector<16xf32>,
    %broadcast_in_dim3A_5 = arith.constant 0.000000e+00 : f32
    %broadcast_in_dim3A_6 = vector.broadcast %broadcast_in_dim3A_5 : f32 to vector<16xf32>
    %swap3A_7 = arith.constant 16 : index
    %swap3A_8 = tpu.vector_load %arg8[%swap3A_7] {strides = array<i32>} : memref<624xf32, #tpu.memory_space<vmem>>, vector<16xf32>,
    %swap3A_9 = vector.shape_cast %swap3A_8 : vector<16xf32> to vector<16xf32>
    %swap3A_10 = vector.shape_cast %broadcast_in_dim3A_6 : vector<16xf32> to vector<16xf32>
    tpu.vector_store %arg8[%swap3A_7], %swap3A_10 {strides = array<i32>} : memref<624xf32, #tpu.memory_space<vmem>>, vector<16xf32>,
    %broadcast_in_dim3A_11 = arith.constant 0.000000e+00 : f32
    %broadcast_in_dim3A_12 = vector.broadcast %broadcast_in_dim3A_11 : f32 to vector<16xf32>
    %swap3A_13 = arith.constant 32 : index
    %swap3A_14 = tpu.vector_load %arg8[%swap3A_13] {strides = array<i32>} : memref<624xf32, #tpu.memory_space<vmem>>, vector<16xf32>,
    %swap3A_15 = vector.shape_cast %swap3A_14 : vector<16xf32> to vector<16xf32>
    %swap3A_16 = vector.shape_cast %broadcast_in_dim3A_12 : vector<16xf32> to vector<16xf32>
    tpu.vector_store %arg8[%swap3A_13], %swap3A_16 {strides = array<i32>} : memref<624xf32, #tpu.memory_space<vmem>>, vector<16xf32>,
    %broadcast_in_dim3A_17 = arith.constant 0.000000e+00 : f32
    %broadcast_in_dim3A_18 = vector.broadcast %broadcast_in_dim3A_17 : f32 to vector<16xf32>
    %swap3A_19 = arith.constant 48 : index
    %swap3A_20 = tpu.vector_load %arg8[%swap3A_19] {strides = array<i32>} : memref<624xf32, #tpu.memory_space<vmem>>, vector<16xf32>,
    %swap3A_21 = vector.shape_cast %swap3A_20 : vector<16xf32> to vector<16xf32>
    %swap3A_22 = vector.shape_cast %broadcast_in_dim3A_18 : vector<16xf32> to vector<16xf32>
    tpu.vector_store %arg8[%swap3A_19], %swap3A_22 {strides = array<i32>} : memref<624xf32, #tpu.memory_space<vmem>>, vector<16xf32>,
    %broadcast_in_dim3A_23 = arith.constant 0.000000e+00 : f32
    %broadcast_in_dim3A_24 = vector.broadcast %broadcast_in_dim3A_23 : f32 to vector<16xf32>
    %swap3A_25 = arith.constant 64 : index
    %swap3A_26 = tpu.vector_load %arg8[%swap3A_25] {strides = array<i32>} : memref<624xf32, #tpu.memory_space<vmem>>, vector<16xf32>,
    %swap3A_27 = vector.shape_cast %swap3A_26 : vector<16xf32> to vector<16xf32>
    %swap3A_28 = vector.shape_cast %broadcast_in_dim3A_24 : vector<16xf32> to vector<16xf32>
    tpu.vector_store %arg8[%swap3A_25], %swap3A_28 {strides = array<i32>} : memref<624xf32, #tpu.memory_space<vmem>>, vector<16xf32>,
    %broadcast_in_dim3A_29 = arith.constant 0.000000e+00 : f32
    %broadcast_in_dim3A_30 = vector.broadcast %broadcast_in_dim3A_29 : f32 to vector<16xf32>
    %swap3A_31 = arith.constant 80 : index
    %swap3A_32 = tpu.vector_load %arg8[%swap3A_31] {strides = array<i32>} : memref<624xf32, #tpu.memory_space<vmem>>, vector<16xf32>,
    %swap3A_33 = vector.shape_cast %swap3A_32 : vector<16xf32> to vector<16xf32>
    %swap3A_34 = vector.shape_cast %broadcast_in_dim3A_30 : vector<16xf32> to vector<16xf32>
    tpu.vector_store %arg8[%swap3A_31], %swap3A_34 {strides = array<i32>} : memref<624xf32, #tpu.memory_space<vmem>>, vector<16xf32>,
    %broadcast_in_dim3A_35 = arith.constant 0.000000e+00 : f32
    %broadcast_in_dim3A_36 = vector.broadcast %broadcast_in_dim3A_35 : f32 to vector<16xf32>
    %swap3A_37 = arith.constant 96 : index
    %swap3A_38 = tpu.vector_load %arg8[%swap3A_37] {strides = array<i32>} : memref<624xf32, #tpu.memory_space<vmem>>, vector<16xf32>,
    %swap3A_39 = vector.shape_cast %swap3A_38 : vector<16xf32> to vector<16xf32>
    %swap3A_40 = vector.shape_cast %broadcast_in_dim3A_36 : vector<16xf32> to vector<16xf32>
    tpu.vector_store %arg8[%swap3A_37], %swap3A_40 {strides = array<i32>} : memref<624xf32, #tpu.memory_space<vmem>>, vector<16xf32>,
    %broadcast_in_dim3A_41 = arith.constant 0.000000e+00 : f32
    %broadcast_in_dim3A_42 = vector.broadcast %broadcast_in_dim3A_41 : f32 to vector<16xf32>
    %swap3A_43 = arith.constant 112 : index
    %swap3A_44 = tpu.vector_load %arg8[%swap3A_43] {strides = array<i32>} : memref<624xf32, #tpu.memory_space<vmem>>, vector<16xf32>,
    %swap3A_45 = vector.shape_cast %swap3A_44 : vector<16xf32> to vector<16xf32>
    %swap3A_46 = vector.shape_cast %broadcast_in_dim3A_42 : vector<16xf32> to vector<16xf32>
    tpu.vector_store %arg8[%swap3A_43], %swap3A_46 {strides = array<i32>} : memref<624xf32, #tpu.memory_space<vmem>>, vector<16xf32>,
    %broadcast_in_dim3A_47 = arith.constant 0.000000e+00 : f32
    %broadcast_in_dim3A_48 = vector.broadcast %broadcast_in_dim3A_47 : f32 to vector<16xf32>
    %swap3A_49 = arith.constant 128 : index
    %swap3A_50 = tpu.vector_load %arg8[%swap3A_49] {strides = array<i32>} : memref<624xf32, #tpu.memory_space<vmem>>, vector<16xf32>,
    %swap3A_51 = vector.shape_cast %swap3A_50 : vector<16xf32> to vector<16xf32>
    %swap3A_52 = vector.shape_cast %broadcast_in_dim3A_48 : vector<16xf32> to vector<16xf32>
    tpu.vector_store %arg8[%swap3A_49], %swap3A_52 {strides = array<i32>} : memref<624xf32, #tpu.memory_space<vmem>>, vector<16xf32>,
    %broadcast_in_dim3A_53 = arith.constant 0.000000e+00 : f32
    %broadcast_in_dim3A_54 = vector.broadcast %broadcast_in_dim3A_53 : f32 to vector<16xf32>
    %swap3A_55 = arith.constant 144 : index
    %swap3A_56 = tpu.vector_load %arg8[%swap3A_55] {strides = array<i32>} : memref<624xf32, #tpu.memory_space<vmem>>, vector<16xf32>,
    %swap3A_57 = vector.shape_cast %swap3A_56 : vector<16xf32> to vector<16xf32>
    %swap3A_58 = vector.shape_cast %broadcast_in_dim3A_54 : vector<16xf32> to vector<16xf32>
    tpu.vector_store %arg8[%swap3A_55], %swap3A_58 {strides = array<i32>} : memref<624xf32, #tpu.memory_space<vmem>>, vector<16xf32>,
    %broadcast_in_dim3A_59 = arith.constant 0.000000e+00 : f32
    %broadcast_in_dim3A_60 = vector.broadcast %broadcast_in_dim3A_59 : f32 to vector<16xf32>
    %swap3A_61 = arith.constant 160 : index
    %swap3A_62 = tpu.vector_load %arg8[%swap3A_61] {strides = array<i32>} : memref<624xf32, #tpu.memory_space<vmem>>, vector<16xf32>,
    %swap3A_63 = vector.shape_cast %swap3A_62 : vector<16xf32> to vector<16xf32>
    %swap3A_64 = vector.shape_cast %broadcast_in_dim3A_60 : vector<16xf32> to vector<16xf32>
    tpu.vector_store %arg8[%swap3A_61], %swap3A_64 {strides = array<i32>} : memref<624xf32, #tpu.memory_space<vmem>>, vector<16xf32>,
    %broadcast_in_dim3A_65 = arith.constant 0.000000e+00 : f32
    %broadcast_in_dim3A_66 = vector.broadcast %broadcast_in_dim3A_65 : f32 to vector<16xf32>
    %swap3A_67 = arith.constant 176 : index
    %swap3A_68 = tpu.vector_load %arg8[%swap3A_67] {strides = array<i32>} : memref<624xf32, #tpu.memory_space<vmem>>, vector<16xf32>,
    %swap3A_69 = vector.shape_cast %swap3A_68 : vector<16xf32> to vector<16xf32>
    %swap3A_70 = vector.shape_cast %broadcast_in_dim3A_66 : vector<16xf32> to vector<16xf32>
    tpu.vector_store %arg8[%swap3A_67], %swap3A_70 {strides = array<i32>} : memref<624xf32, #tpu.memory_space<vmem>>, vector<16xf32>,
    %broadcast_in_dim3A_71 = arith.constant 0.000000e+00 : f32
    %broadcast_in_dim3A_72 = vector.broadcast %broadcast_in_dim3A_71 : f32 to vector<16xf32>
    %swap3A_73 = arith.constant 192 : index
    %swap3A_74 = tpu.vector_load %arg8[%swap3A_73] {strides = array<i32>} : memref<624xf32, #tpu.memory_space<vmem>>, vector<16xf32>,
    %swap3A_75 = vector.shape_cast %swap3A_74 : vector<16xf32> to vector<16xf32>
    %swap3A_76 = vector.shape_cast %broadcast_in_dim3A_72 : vector<16xf32> to vector<16xf32>
    tpu.vector_store %arg8[%swap3A_73], %swap3A_76 {strides = array<i32>} : memref<624xf32, #tpu.memory_space<vmem>>, vector<16xf32>,
    %broadcast_in_dim3A_77 = arith.constant 0.000000e+00 : f32
    %broadcast_in_dim3A_78 = vector.broadcast %broadcast_in_dim3A_77 : f32 to vector<16xf32>
    %swap3A_79 = arith.constant 208 : index
    %swap3A_80 = tpu.vector_load %arg8[%swap3A_79] {strides = array<i32>} : memref<624xf32, #tpu.memory_space<vmem>>, vector<16xf32>,
    %swap3A_81 = vector.shape_cast %swap3A_80 : vector<16xf32> to vector<16xf32>
    %swap3A_82 = vector.shape_cast %broadcast_in_dim3A_78 : vector<16xf32> to vector<16xf32>
    tpu.vector_store %arg8[%swap3A_79], %swap3A_82 {strides = array<i32>} : memref<624xf32, #tpu.memory_space<vmem>>, vector<16xf32>,
    %broadcast_in_dim3A_83 = arith.constant 0.000000e+00 : f32
    %broadcast_in_dim3A_84 = vector.broadcast %broadcast_in_dim3A_83 : f32 to vector<16xf32>
    %swap3A_85 = arith.constant 224 : index
    %swap3A_86 = tpu.vector_load %arg8[%swap3A_85] {strides = array<i32>} : memref<624xf32, #tpu.memory_space<vmem>>, vector<16xf32>,
    %swap3A_87 = vector.shape_cast %swap3A_86 : vector<16xf32> to vector<16xf32>
    %swap3A_88 = vector.shape_cast %broadcast_in_dim3A_84 : vector<16xf32> to vector<16xf32>
    tpu.vector_store %arg8[%swap3A_85], %swap3A_88 {strides = array<i32>} : memref<624xf32, #tpu.memory_space<vmem>>, vector<16xf32>,
    %broadcast_in_dim3A_89 = arith.constant 0.000000e+00 : f32
    %broadcast_in_dim3A_90 = vector.broadcast %broadcast_in_dim3A_89 : f32 to vector<16xf32>
    %swap3A_91 = arith.constant 240 : index
    %swap3A_92 = tpu.vector_load %arg8[%swap3A_91] {strides = array<i32>} : memref<624xf32, #tpu.memory_space<vmem>>, vector<16xf32>,
    %swap3A_93 = vector.shape_cast %swap3A_92 : vector<16xf32> to vector<16xf32>
    %swap3A_94 = vector.shape_cast %broadcast_in_dim3A_90 : vector<16xf32> to vector<16xf32>
    tpu.vector_store %arg8[%swap3A_91], %swap3A_94 {strides = array<i32>} : memref<624xf32, #tpu.memory_space<vmem>>, vector<16xf32>,
    %broadcast_in_dim3A_95 = arith.constant 0.000000e+00 : f32
    %broadcast_in_dim3A_96 = vector.broadcast %broadcast_in_dim3A_95 : f32 to vector<16xf32>
    %swap3A_97 = arith.constant 256 : index
    %swap3A_98 = tpu.vector_load %arg8[%swap3A_97] {strides = array<i32>} : memref<624xf32, #tpu.memory_space<vmem>>, vector<16xf32>,
    %swap3A_99 = vector.shape_cast %swap3A_98 : vector<16xf32> to vector<16xf32>
    %swap3A_100 = vector.shape_cast %broadcast_in_dim3A_96 : vector<16xf32> to vector<16xf32>
    tpu.vector_store %arg8[%swap3A_97], %swap3A_100 {strides = array<i32>} : memref<624xf32, #tpu.memory_space<vmem>>, vector<16xf32>,
    %broadcast_in_dim3A_101 = arith.constant 0.000000e+00 : f32
    %broadcast_in_dim3A_102 = vector.broadcast %broadcast_in_dim3A_101 : f32 to vector<16xf32>
    %swap3A_103 = arith.constant 272 : index
    %swap3A_104 = tpu.vector_load %arg8[%swap3A_103] {strides = array<i32>} : memref<624xf32, #tpu.memory_space<vmem>>, vector<16xf32>,
    %swap3A_105 = vector.shape_cast %swap3A_104 : vector<16xf32> to vector<16xf32>
    %swap3A_106 = vector.shape_cast %broadcast_in_dim3A_102 : vector<16xf32> to vector<16xf32>
    tpu.vector_store %arg8[%swap3A_103], %swap3A_106 {strides = array<i32>} : memref<624xf32, #tpu.memory_space<vmem>>, vector<16xf32>,
    %broadcast_in_dim3A_107 = arith.constant 0.000000e+00 : f32
    %broadcast_in_dim3A_108 = vector.broadcast %broadcast_in_dim3A_107 : f32 to vector<16xf32>
    %swap3A_109 = arith.constant 288 : index
    %swap3A_110 = tpu.vector_load %arg8[%swap3A_109] {strides = array<i32>} : memref<624xf32, #tpu.memory_space<vmem>>, vector<16xf32>,
    %swap3A_111 = vector.shape_cast %swap3A_110 : vector<16xf32> to vector<16xf32>
    %swap3A_112 = vector.shape_cast %broadcast_in_dim3A_108 : vector<16xf32> to vector<16xf32>
    tpu.vector_store %arg8[%swap3A_109], %swap3A_112 {strides = array<i32>} : memref<624xf32, #tpu.memory_space<vmem>>, vector<16xf32>,
    %broadcast_in_dim3A_113 = arith.constant 0.000000e+00 : f32
    %broadcast_in_dim3A_114 = vector.broadcast %broadcast_in_dim3A_113 : f32 to vector<16xf32>
    %swap3A_115 = arith.constant 304 : index
    %swap3A_116 = tpu.vector_load %arg8[%swap3A_115] {strides = array<i32>} : memref<624xf32, #tpu.memory_space<vmem>>, vector<16xf32>,
    %swap3A_117 = vector.shape_cast %swap3A_116 : vector<16xf32> to vector<16xf32>
    %swap3A_118 = vector.shape_cast %broadcast_in_dim3A_114 : vector<16xf32> to vector<16xf32>
    tpu.vector_store %arg8[%swap3A_115], %swap3A_118 {strides = array<i32>} : memref<624xf32, #tpu.memory_space<vmem>>, vector<16xf32>,
    %broadcast_in_dim3A_119 = arith.constant 0.000000e+00 : f32
    %broadcast_in_dim3A_120 = vector.broadcast %broadcast_in_dim3A_119 : f32 to vector<16xf32>
    %swap3A_121 = arith.constant 320 : index
    %swap3A_122 = tpu.vector_load %arg8[%swap3A_121] {strides = array<i32>} : memref<624xf32, #tpu.memory_space<vmem>>, vector<16xf32>,
    %swap3A_123 = vector.shape_cast %swap3A_122 : vector<16xf32> to vector<16xf32>
    %swap3A_124 = vector.shape_cast %broadcast_in_dim3A_120 : vector<16xf32> to vector<16xf32>
    tpu.vector_store %arg8[%swap3A_121], %swap3A_124 {strides = array<i32>} : memref<624xf32, #tpu.memory_space<vmem>>, vector<16xf32>,
    %broadcast_in_dim3A_125 = arith.constant 0.000000e+00 : f32
    %broadcast_in_dim3A_126 = vector.broadcast %broadcast_in_dim3A_125 : f32 to vector<16xf32>
    %swap3A_127 = arith.constant 336 : index
    %swap3A_128 = tpu.vector_load %arg8[%swap3A_127] {strides = array<i32>} : memref<624xf32, #tpu.memory_space<vmem>>, vector<16xf32>,
    %swap3A_129 = vector.shape_cast %swap3A_128 : vector<16xf32> to vector<16xf32>
    %swap3A_130 = vector.shape_cast %broadcast_in_dim3A_126 : vector<16xf32> to vector<16xf32>
    tpu.vector_store %arg8[%swap3A_127], %swap3A_130 {strides = array<i32>} : memref<624xf32, #tpu.memory_space<vmem>>, vector<16xf32>,
    %broadcast_in_dim3A_131 = arith.constant 0.000000e+00 : f32
    %broadcast_in_dim3A_132 = vector.broadcast %broadcast_in_dim3A_131 : f32 to vector<16xf32>
    %swap3A_133 = arith.constant 352 : index
    %swap3A_134 = tpu.vector_load %arg8[%swap3A_133] {strides = array<i32>} : memref<624xf32, #tpu.memory_space<vmem>>, vector<16xf32>,
    %swap3A_135 = vector.shape_cast %swap3A_134 : vector<16xf32> to vector<16xf32>
    %swap3A_136 = vector.shape_cast %broadcast_in_dim3A_132 : vector<16xf32> to vector<16xf32>
    tpu.vector_store %arg8[%swap3A_133], %swap3A_136 {strides = array<i32>} : memref<624xf32, #tpu.memory_space<vmem>>, vector<16xf32>,
    %broadcast_in_dim3A_137 = arith.constant 0.000000e+00 : f32
    %broadcast_in_dim3A_138 = vector.broadcast %broadcast_in_dim3A_137 : f32 to vector<16xf32>
    %swap3A_139 = arith.constant 368 : index
    %swap3A_140 = tpu.vector_load %arg8[%swap3A_139] {strides = array<i32>} : memref<624xf32, #tpu.memory_space<vmem>>, vector<16xf32>,
    %swap3A_141 = vector.shape_cast %swap3A_140 : vector<16xf32> to vector<16xf32>
    %swap3A_142 = vector.shape_cast %broadcast_in_dim3A_138 : vector<16xf32> to vector<16xf32>
    tpu.vector_store %arg8[%swap3A_139], %swap3A_142 {strides = array<i32>} : memref<624xf32, #tpu.memory_space<vmem>>, vector<16xf32>,
    %broadcast_in_dim3A_143 = arith.constant 0.000000e+00 : f32
    %broadcast_in_dim3A_144 = vector.broadcast %broadcast_in_dim3A_143 : f32 to vector<16xf32>
    %swap3A_145 = arith.constant 384 : index
    %swap3A_146 = tpu.vector_load %arg8[%swap3A_145] {strides = array<i32>} : memref<624xf32, #tpu.memory_space<vmem>>, vector<16xf32>,
    %swap3A_147 = vector.shape_cast %swap3A_146 : vector<16xf32> to vector<16xf32>
    %swap3A_148 = vector.shape_cast %broadcast_in_dim3A_144 : vector<16xf32> to vector<16xf32>
    tpu.vector_store %arg8[%swap3A_145], %swap3A_148 {strides = array<i32>} : memref<624xf32, #tpu.memory_space<vmem>>, vector<16xf32>,
    %broadcast_in_dim3A_149 = arith.constant 0.000000e+00 : f32
    %broadcast_in_dim3A_150 = vector.broadcast %broadcast_in_dim3A_149 : f32 to vector<16xf32>
    %swap3A_151 = arith.constant 400 : index
    %swap3A_152 = tpu.vector_load %arg8[%swap3A_151] {strides = array<i32>} : memref<624xf32, #tpu.memory_space<vmem>>, vector<16xf32>,
    %swap3A_153 = vector.shape_cast %swap3A_152 : vector<16xf32> to vector<16xf32>
    %swap3A_154 = vector.shape_cast %broadcast_in_dim3A_150 : vector<16xf32> to vector<16xf32>
    tpu.vector_store %arg8[%swap3A_151], %swap3A_154 {strides = array<i32>} : memref<624xf32, #tpu.memory_space<vmem>>, vector<16xf32>,
    %broadcast_in_dim3A_155 = arith.constant 0.000000e+00 : f32
    %broadcast_in_dim3A_156 = vector.broadcast %broadcast_in_dim3A_155 : f32 to vector<16xf32>
    %swap3A_157 = arith.constant 416 : index
    %swap3A_158 = tpu.vector_load %arg8[%swap3A_157] {strides = array<i32>} : memref<624xf32, #tpu.memory_space<vmem>>, vector<16xf32>,
    %swap3A_159 = vector.shape_cast %swap3A_158 : vector<16xf32> to vector<16xf32>
    %swap3A_160 = vector.shape_cast %broadcast_in_dim3A_156 : vector<16xf32> to vector<16xf32>
    tpu.vector_store %arg8[%swap3A_157], %swap3A_160 {strides = array<i32>} : memref<624xf32, #tpu.memory_space<vmem>>, vector<16xf32>,
    %broadcast_in_dim3A_161 = arith.constant 0.000000e+00 : f32
    %broadcast_in_dim3A_162 = vector.broadcast %broadcast_in_dim3A_161 : f32 to vector<16xf32>
    %swap3A_163 = arith.constant 432 : index
    %swap3A_164 = tpu.vector_load %arg8[%swap3A_163] {strides = array<i32>} : memref<624xf32, #tpu.memory_space<vmem>>, vector<16xf32>,
    %swap3A_165 = vector.shape_cast %swap3A_164 : vector<16xf32> to vector<16xf32>
    %swap3A_166 = vector.shape_cast %broadcast_in_dim3A_162 : vector<16xf32> to vector<16xf32>
    tpu.vector_store %arg8[%swap3A_163], %swap3A_166 {strides = array<i32>} : memref<624xf32, #tpu.memory_space<vmem>>, vector<16xf32>,
    %broadcast_in_dim3A_167 = arith.constant 0.000000e+00 : f32
    %broadcast_in_dim3A_168 = vector.broadcast %broadcast_in_dim3A_167 : f32 to vector<16xf32>
    %swap3A_169 = arith.constant 448 : index
    %swap3A_170 = tpu.vector_load %arg8[%swap3A_169] {strides = array<i32>} : memref<624xf32, #tpu.memory_space<vmem>>, vector<16xf32>,
    %swap3A_171 = vector.shape_cast %swap3A_170 : vector<16xf32> to vector<16xf32>
    %swap3A_172 = vector.shape_cast %broadcast_in_dim3A_168 : vector<16xf32> to vector<16xf32>
    tpu.vector_store %arg8[%swap3A_169], %swap3A_172 {strides = array<i32>} : memref<624xf32, #tpu.memory_space<vmem>>, vector<16xf32>,
    %broadcast_in_dim3A_173 = arith.constant 0.000000e+00 : f32
    %broadcast_in_dim3A_174 = vector.broadcast %broadcast_in_dim3A_173 : f32 to vector<16xf32>
    %swap3A_175 = arith.constant 464 : index
    %swap3A_176 = tpu.vector_load %arg8[%swap3A_175] {strides = array<i32>} : memref<624xf32, #tpu.memory_space<vmem>>, vector<16xf32>,
    %swap3A_177 = vector.shape_cast %swap3A_176 : vector<16xf32> to vector<16xf32>
    %swap3A_178 = vector.shape_cast %broadcast_in_dim3A_174 : vector<16xf32> to vector<16xf32>
    tpu.vector_store %arg8[%swap3A_175], %swap3A_178 {strides = array<i32>} : memref<624xf32, #tpu.memory_space<vmem>>, vector<16xf32>,
    %broadcast_in_dim3A_179 = arith.constant 0.000000e+00 : f32
    %broadcast_in_dim3A_180 = vector.broadcast %broadcast_in_dim3A_179 : f32 to vector<16xf32>
    %swap3A_181 = arith.constant 480 : index
    %swap3A_182 = tpu.vector_load %arg8[%swap3A_181] {strides = array<i32>} : memref<624xf32, #tpu.memory_space<vmem>>, vector<16xf32>,
    %swap3A_183 = vector.shape_cast %swap3A_182 : vector<16xf32> to vector<16xf32>
    %swap3A_184 = vector.shape_cast %broadcast_in_dim3A_180 : vector<16xf32> to vector<16xf32>
    tpu.vector_store %arg8[%swap3A_181], %swap3A_184 {strides = array<i32>} : memref<624xf32, #tpu.memory_space<vmem>>, vector<16xf32>,
    %broadcast_in_dim3A_185 = arith.constant 0.000000e+00 : f32
    %broadcast_in_dim3A_186 = vector.broadcast %broadcast_in_dim3A_185 : f32 to vector<16xf32>
    %swap3A_187 = arith.constant 496 : index
    %swap3A_188 = tpu.vector_load %arg8[%swap3A_187] {strides = array<i32>} : memref<624xf32, #tpu.memory_space<vmem>>, vector<16xf32>,
    %swap3A_189 = vector.shape_cast %swap3A_188 : vector<16xf32> to vector<16xf32>
    %swap3A_190 = vector.shape_cast %broadcast_in_dim3A_186 : vector<16xf32> to vector<16xf32>
    tpu.vector_store %arg8[%swap3A_187], %swap3A_190 {strides = array<i32>} : memref<624xf32, #tpu.memory_space<vmem>>, vector<16xf32>,
    %broadcast_in_dim3A_191 = arith.constant 0.000000e+00 : f32
    %broadcast_in_dim3A_192 = vector.broadcast %broadcast_in_dim3A_191 : f32 to vector<16xf32>
    %swap3A_193 = arith.constant 512 : index
    %swap3A_194 = tpu.vector_load %arg8[%swap3A_193] {strides = array<i32>} : memref<624xf32, #tpu.memory_space<vmem>>, vector<16xf32>,
    %swap3A_195 = vector.shape_cast %swap3A_194 : vector<16xf32> to vector<16xf32>
    %swap3A_196 = vector.shape_cast %broadcast_in_dim3A_192 : vector<16xf32> to vector<16xf32>
    tpu.vector_store %arg8[%swap3A_193], %swap3A_196 {strides = array<i32>} : memref<624xf32, #tpu.memory_space<vmem>>, vector<16xf32>,
    %broadcast_in_dim3A_197 = arith.constant 0.000000e+00 : f32
    %broadcast_in_dim3A_198 = vector.broadcast %broadcast_in_dim3A_197 : f32 to vector<16xf32>
    %swap3A_199 = arith.constant 528 : index
    %swap3A_200 = tpu.vector_load %arg8[%swap3A_199] {strides = array<i32>} : memref<624xf32, #tpu.memory_space<vmem>>, vector<16xf32>,
    %swap3A_201 = vector.shape_cast %swap3A_200 : vector<16xf32> to vector<16xf32>
    %swap3A_202 = vector.shape_cast %broadcast_in_dim3A_198 : vector<16xf32> to vector<16xf32>
    tpu.vector_store %arg8[%swap3A_199], %swap3A_202 {strides = array<i32>} : memref<624xf32, #tpu.memory_space<vmem>>, vector<16xf32>,
    %broadcast_in_dim3A_203 = arith.constant 0.000000e+00 : f32
    %broadcast_in_dim3A_204 = vector.broadcast %broadcast_in_dim3A_203 : f32 to vector<16xf32>
    %swap3A_205 = arith.constant 544 : index
    %swap3A_206 = tpu.vector_load %arg8[%swap3A_205] {strides = array<i32>} : memref<624xf32, #tpu.memory_space<vmem>>, vector<16xf32>,
    %swap3A_207 = vector.shape_cast %swap3A_206 : vector<16xf32> to vector<16xf32>
    %swap3A_208 = vector.shape_cast %broadcast_in_dim3A_204 : vector<16xf32> to vector<16xf32>
    tpu.vector_store %arg8[%swap3A_205], %swap3A_208 {strides = array<i32>} : memref<624xf32, #tpu.memory_space<vmem>>, vector<16xf32>,
    %broadcast_in_dim3A_209 = arith.constant 0.000000e+00 : f32
    %broadcast_in_dim3A_210 = vector.broadcast %broadcast_in_dim3A_209 : f32 to vector<16xf32>
    %swap3A_211 = arith.constant 560 : index
    %swap3A_212 = tpu.vector_load %arg8[%swap3A_211] {strides = array<i32>} : memref<624xf32, #tpu.memory_space<vmem>>, vector<16xf32>,
    %swap3A_213 = vector.shape_cast %swap3A_212 : vector<16xf32> to vector<16xf32>
    %swap3A_214 = vector.shape_cast %broadcast_in_dim3A_210 : vector<16xf32> to vector<16xf32>
    tpu.vector_store %arg8[%swap3A_211], %swap3A_214 {strides = array<i32>} : memref<624xf32, #tpu.memory_space<vmem>>, vector<16xf32>,
    %broadcast_in_dim3A_215 = arith.constant 0.000000e+00 : f32
    %broadcast_in_dim3A_216 = vector.broadcast %broadcast_in_dim3A_215 : f32 to vector<16xf32>
    %swap3A_217 = arith.constant 576 : index
    %swap3A_218 = tpu.vector_load %arg8[%swap3A_217] {strides = array<i32>} : memref<624xf32, #tpu.memory_space<vmem>>, vector<16xf32>,
    %swap3A_219 = vector.shape_cast %swap3A_218 : vector<16xf32> to vector<16xf32>
    %swap3A_220 = vector.shape_cast %broadcast_in_dim3A_216 : vector<16xf32> to vector<16xf32>
    tpu.vector_store %arg8[%swap3A_217], %swap3A_220 {strides = array<i32>} : memref<624xf32, #tpu.memory_space<vmem>>, vector<16xf32>,
    %broadcast_in_dim3A_221 = arith.constant 0.000000e+00 : f32
    %broadcast_in_dim3A_222 = vector.broadcast %broadcast_in_dim3A_221 : f32 to vector<16xf32>
    %swap3A_223 = arith.constant 592 : index
    %swap3A_224 = tpu.vector_load %arg8[%swap3A_223] {strides = array<i32>} : memref<624xf32, #tpu.memory_space<vmem>>, vector<16xf32>,
    %swap3A_225 = vector.shape_cast %swap3A_224 : vector<16xf32> to vector<16xf32>
    %swap3A_226 = vector.shape_cast %broadcast_in_dim3A_222 : vector<16xf32> to vector<16xf32>
    tpu.vector_store %arg8[%swap3A_223], %swap3A_226 {strides = array<i32>} : memref<624xf32, #tpu.memory_space<vmem>>, vector<16xf32>,
    %broadcast_in_dim3A_227 = arith.constant 0.000000e+00 : f32
    %broadcast_in_dim3A_228 = vector.broadcast %broadcast_in_dim3A_227 : f32 to vector<16xf32>
    %swap3A_229 = arith.constant 608 : index
    %swap3A_230 = tpu.vector_load %arg8[%swap3A_229] {strides = array<i32>} : memref<624xf32, #tpu.memory_space<vmem>>, vector<16xf32>,
    %swap3A_231 = vector.shape_cast %swap3A_230 : vector<16xf32> to vector<16xf32>
    %swap3A_232 = vector.shape_cast %broadcast_in_dim3A_228 : vector<16xf32> to vector<16xf32>
    tpu.vector_store %arg8[%swap3A_229], %swap3A_232 {strides = array<i32>} : memref<624xf32, #tpu.memory_space<vmem>>, vector<16xf32>,
    %broadcast_in_dim3A_233 = arith.constant 1.000000e+00 : f32
    %broadcast_in_dim3A_234 = vector.broadcast %broadcast_in_dim3A_233 : f32 to vector<16xf32>
    %swap3A_235 = arith.constant 0 : index
    %swap3A_236 = tpu.vector_load %arg5[%swap3A_235] {strides = array<i32>} : memref<128xf32, #tpu.memory_space<vmem>>, vector<16xf32>,
    %swap3A_237 = vector.shape_cast %swap3A_236 : vector<16xf32> to vector<16xf32>
    %swap3A_238 = vector.shape_cast %broadcast_in_dim3A_234 : vector<16xf32> to vector<16xf32>
    tpu.vector_store %arg5[%swap3A_235], %swap3A_238 {strides = array<i32>} : memref<128xf32, #tpu.memory_space<vmem>>, vector<16xf32>,
    %broadcast_in_dim3A_239 = arith.constant 1.000000e+00 : f32
    %broadcast_in_dim3A_240 = vector.broadcast %broadcast_in_dim3A_239 : f32 to vector<16xf32>
    %swap3A_241 = arith.constant 16 : index
    %swap3A_242 = tpu.vector_load %arg5[%swap3A_241] {strides = array<i32>} : memref<128xf32, #tpu.memory_space<vmem>>, vector<16xf32>,
    %swap3A_243 = vector.shape_cast %swap3A_242 : vector<16xf32> to vector<16xf32>
    %swap3A_244 = vector.shape_cast %broadcast_in_dim3A_240 : vector<16xf32> to vector<16xf32>
    tpu.vector_store %arg5[%swap3A_241], %swap3A_244 {strides = array<i32>} : memref<128xf32, #tpu.memory_space<vmem>>, vector<16xf32>,
    %broadcast_in_dim3A_245 = arith.constant 1.000000e+00 : f32
    %broadcast_in_dim3A_246 = vector.broadcast %broadcast_in_dim3A_245 : f32 to vector<16xf32>
    %swap3A_247 = arith.constant 32 : index
    %swap3A_248 = tpu.vector_load %arg5[%swap3A_247] {strides = array<i32>} : memref<128xf32, #tpu.memory_space<vmem>>, vector<16xf32>,
    %swap3A_249 = vector.shape_cast %swap3A_248 : vector<16xf32> to vector<16xf32>
    %swap3A_250 = vector.shape_cast %broadcast_in_dim3A_246 : vector<16xf32> to vector<16xf32>
    tpu.vector_store %arg5[%swap3A_247], %swap3A_250 {strides = array<i32>} : memref<128xf32, #tpu.memory_space<vmem>>, vector<16xf32>,
    %broadcast_in_dim3A_251 = arith.constant 1.000000e+00 : f32
    %broadcast_in_dim3A_252 = vector.broadcast %broadcast_in_dim3A_251 : f32 to vector<16xf32>
    %swap3A_253 = arith.constant 48 : index
    %swap3A_254 = tpu.vector_load %arg5[%swap3A_253] {strides = array<i32>} : memref<128xf32, #tpu.memory_space<vmem>>, vector<16xf32>,
    %swap3A_255 = vector.shape_cast %swap3A_254 : vector<16xf32> to vector<16xf32>
    %swap3A_256 = vector.shape_cast %broadcast_in_dim3A_252 : vector<16xf32> to vector<16xf32>
    tpu.vector_store %arg5[%swap3A_253], %swap3A_256 {strides = array<i32>} : memref<128xf32, #tpu.memory_space<vmem>>, vector<16xf32>,
    %broadcast_in_dim3A_257 = arith.constant 1.000000e+00 : f32
    %broadcast_in_dim3A_258 = vector.broadcast %broadcast_in_dim3A_257 : f32 to vector<16xf32>
    %swap3A_259 = arith.constant 64 : index
    %swap3A_260 = tpu.vector_load %arg5[%swap3A_259] {strides = array<i32>} : memref<128xf32, #tpu.memory_space<vmem>>, vector<16xf32>,
    %swap3A_261 = vector.shape_cast %swap3A_260 : vector<16xf32> to vector<16xf32>
    %swap3A_262 = vector.shape_cast %broadcast_in_dim3A_258 : vector<16xf32> to vector<16xf32>
    tpu.vector_store %arg5[%swap3A_259], %swap3A_262 {strides = array<i32>} : memref<128xf32, #tpu.memory_space<vmem>>, vector<16xf32>,
    %broadcast_in_dim3A_263 = arith.constant 1.000000e+00 : f32
    %broadcast_in_dim3A_264 = vector.broadcast %broadcast_in_dim3A_263 : f32 to vector<16xf32>
    %swap3A_265 = arith.constant 80 : index
    %swap3A_266 = tpu.vector_load %arg5[%swap3A_265] {strides = array<i32>} : memref<128xf32, #tpu.memory_space<vmem>>, vector<16xf32>,
    %swap3A_267 = vector.shape_cast %swap3A_266 : vector<16xf32> to vector<16xf32>
    %swap3A_268 = vector.shape_cast %broadcast_in_dim3A_264 : vector<16xf32> to vector<16xf32>
    tpu.vector_store %arg5[%swap3A_265], %swap3A_268 {strides = array<i32>} : memref<128xf32, #tpu.memory_space<vmem>>, vector<16xf32>,
    %broadcast_in_dim3A_269 = arith.constant 1.000000e+00 : f32
    %broadcast_in_dim3A_270 = vector.broadcast %broadcast_in_dim3A_269 : f32 to vector<16xf32>
    %swap3A_271 = arith.constant 96 : index
    %swap3A_272 = tpu.vector_load %arg5[%swap3A_271] {strides = array<i32>} : memref<128xf32, #tpu.memory_space<vmem>>, vector<16xf32>,
    %swap3A_273 = vector.shape_cast %swap3A_272 : vector<16xf32> to vector<16xf32>
    %swap3A_274 = vector.shape_cast %broadcast_in_dim3A_270 : vector<16xf32> to vector<16xf32>
    tpu.vector_store %arg5[%swap3A_271], %swap3A_274 {strides = array<i32>} : memref<128xf32, #tpu.memory_space<vmem>>, vector<16xf32>,
    %broadcast_in_dim3A_275 = arith.constant 1.000000e+00 : f32
    %broadcast_in_dim3A_276 = vector.broadcast %broadcast_in_dim3A_275 : f32 to vector<16xf32>
    %swap3A_277 = arith.constant 112 : index
    %swap3A_278 = tpu.vector_load %arg5[%swap3A_277] {strides = array<i32>} : memref<128xf32, #tpu.memory_space<vmem>>, vector<16xf32>,
    %swap3A_279 = vector.shape_cast %swap3A_278 : vector<16xf32> to vector<16xf32>
    %swap3A_280 = vector.shape_cast %broadcast_in_dim3A_276 : vector<16xf32> to vector<16xf32>
    tpu.vector_store %arg5[%swap3A_277], %swap3A_280 {strides = array<i32>} : memref<128xf32, #tpu.memory_space<vmem>>, vector<16xf32>,
    %broadcast_in_dim3A_281 = arith.constant 1.000000e+00 : f32
    %broadcast_in_dim3A_282 = vector.broadcast %broadcast_in_dim3A_281 : f32 to vector<16xf32>
    %swap3A_283 = arith.constant 0 : index
    %swap3A_284 = tpu.vector_load %arg7[%swap3A_283] {strides = array<i32>} : memref<16xf32, #tpu.memory_space<vmem>>, vector<16xf32>,
    %swap3A_285 = vector.shape_cast %swap3A_284 : vector<16xf32> to vector<16xf32>
    %swap3A_286 = vector.shape_cast %broadcast_in_dim3A_282 : vector<16xf32> to vector<16xf32>
    tpu.vector_store %arg7[%swap3A_283], %swap3A_286 {strides = array<i32>} : memref<16xf32, #tpu.memory_space<vmem>>, vector<16xf32>,
    %mul3A_287 = arith.constant 624 : i32
    %mul3A_288 = arith.muli %arg1, %mul3A_287 : i32
    "tpu.region"() ({
      %run_scoped3A = tpu.sem_alloc : memref<!tpu.dma_semaphore, #tpu.memory_space<semaphore_mem>>
      %dma_start3A = tpu.memref_slice %arg9[%mul3A_288] : memref<10000xf32, #tpu.memory_space<vmem_shared>> -> memref<624xf32, #tpu.memory_space<vmem_shared>>
      %dma_start3A_312 = tpu.memref_slice %arg9[%mul3A_288] : memref<10000xf32, #tpu.memory_space<vmem_shared>> -> memref<624xf32, #tpu.memory_space<vmem_shared>>
      tpu.enqueue_dma source(%arg8 : memref<624xf32, #tpu.memory_space<vmem>>) target(%dma_start3A_312 : memref<624xf32, #tpu.memory_space<vmem_shared>>) target_semaphore(%run_scoped3A : memref<!tpu.dma_semaphore, #tpu.memory_space<semaphore_mem>>)
      %dma_wait3A = tpu.memref_slice %arg9[%mul3A_288] : memref<10000xf32, #tpu.memory_space<vmem_shared>> -> memref<624xf32, #tpu.memory_space<vmem_shared>>
      %dma_wait3A_313 = tpu.memref_slice %arg9[%mul3A_288] : memref<10000xf32, #tpu.memory_space<vmem_shared>> -> memref<624xf32, #tpu.memory_space<vmem_shared>>
      tpu.wait_dma2 semaphore(%run_scoped3A : memref<!tpu.dma_semaphore, #tpu.memory_space<semaphore_mem>>) src(%arg8 : memref<624xf32, #tpu.memory_space<vmem>>) dst(%dma_wait3A_313 : memref<624xf32, #tpu.memory_space<vmem_shared>>)
      tpu.yield
    }) : () -> ()
    %eq3A = arith.constant 0 : i32
    %eq3A_289 = arith.cmpi eq, %arg1, %eq3A : i32
    %convert_element_type3A = arith.extui %eq3A_289 : i1 to i32
    %cond3A = arith.constant 0 : i32
    %cond3A_290 = arith.cmpi ne, %convert_element_type3A, %cond3A : i32
    scf.if %cond3A_290 {
      "tpu.region"() ({
        %run_scoped3A = tpu.sem_alloc : memref<!tpu.dma_semaphore, #tpu.memory_space<semaphore_mem>>
        %dma_start3A = arith.constant 0 : i32
        %dma_start3A_312 = tpu.memref_slice %arg8[%dma_start3A] : memref<624xf32, #tpu.memory_space<vmem>> -> memref<16xf32, #tpu.memory_space<vmem>>
        %dma_start3A_313 = arith.constant 9984 : i32
        %dma_start3A_314 = tpu.memref_slice %arg9[%dma_start3A_313] : memref<10000xf32, #tpu.memory_space<vmem_shared>> -> memref<16xf32, #tpu.memory_space<vmem_shared>>
        %dma_start3A_315 = arith.constant 9984 : i32
        %dma_start3A_316 = tpu.memref_slice %arg9[%dma_start3A_315] : memref<10000xf32, #tpu.memory_space<vmem_shared>> -> memref<16xf32, #tpu.memory_space<vmem_shared>>
        %dma_start3A_317 = arith.constant 0 : i32
        %dma_start3A_318 = tpu.memref_slice %arg8[%dma_start3A_317] : memref<624xf32, #tpu.memory_space<vmem>> -> memref<16xf32, #tpu.memory_space<vmem>>
        tpu.enqueue_dma source(%dma_start3A_318 : memref<16xf32, #tpu.memory_space<vmem>>) target(%dma_start3A_316 : memref<16xf32, #tpu.memory_space<vmem_shared>>) target_semaphore(%run_scoped3A : memref<!tpu.dma_semaphore, #tpu.memory_space<semaphore_mem>>)
        %dma_wait3A = arith.constant 0 : i32
        %dma_wait3A_319 = tpu.memref_slice %arg8[%dma_wait3A] : memref<624xf32, #tpu.memory_space<vmem>> -> memref<16xf32, #tpu.memory_space<vmem>>
        %dma_wait3A_320 = arith.constant 9984 : i32
        %dma_wait3A_321 = tpu.memref_slice %arg9[%dma_wait3A_320] : memref<10000xf32, #tpu.memory_space<vmem_shared>> -> memref<16xf32, #tpu.memory_space<vmem_shared>>
        %dma_wait3A_322 = arith.constant 9984 : i32
        %dma_wait3A_323 = tpu.memref_slice %arg9[%dma_wait3A_322] : memref<10000xf32, #tpu.memory_space<vmem_shared>> -> memref<16xf32, #tpu.memory_space<vmem_shared>>
        %dma_wait3A_324 = arith.constant 0 : i32
        %dma_wait3A_325 = tpu.memref_slice %arg8[%dma_wait3A_324] : memref<624xf32, #tpu.memory_space<vmem>> -> memref<16xf32, #tpu.memory_space<vmem>>
        tpu.wait_dma2 semaphore(%run_scoped3A : memref<!tpu.dma_semaphore, #tpu.memory_space<semaphore_mem>>) src(%dma_wait3A_325 : memref<16xf32, #tpu.memory_space<vmem>>) dst(%dma_wait3A_323 : memref<16xf32, #tpu.memory_space<vmem_shared>>)
        tpu.yield
      }) : () -> ()
    } else {
    }
    %barrier3A = arith.constant 0 : index
    tpu.barrier barrier_id(%barrier3A)
    %mul3A_291 = arith.constant 10000 : i32
    %mul3A_292 = arith.muli %add3A, %mul3A_291 : i32
    %scan3A = arith.constant 0 : i32
    %scan3A_293 = arith.constant 78 : i32
    %scan3A_294 = arith.addi %scan3A, %scan3A_293 : i32
    %scan3A_295 = arith.constant 1 : i32
    scf.for %scan3A_312 = %scan3A to %scan3A_294 step %scan3A_295  : i32 {
      %mul3A_313 = arith.constant 1 : i32
      %mul3A_314 = arith.muli %scan3A_312, %mul3A_313 : i32
      %add3A_315 = arith.constant 0 : i32
      %add3A_316 = arith.addi %add3A_315, %mul3A_314 : i32
      %mul3A_317 = arith.constant 128 : i32
      %mul3A_318 = arith.muli %add3A_316, %mul3A_317 : i32
      %add3A_319 = arith.addi %mul3A_292, %mul3A_318 : i32
      "tpu.region"() ({
        %run_scoped3A = tpu.sem_alloc : memref<!tpu.dma_semaphore, #tpu.memory_space<semaphore_mem>>
        %dma_start3A = tpu.memref_slice %arg2[%add3A_319] : memref<320000xi32, #tpu.memory_space<hbm>> -> memref<128xi32, #tpu.memory_space<hbm>>
        %dma_start3A_320 = tpu.memref_slice %arg2[%add3A_319] : memref<320000xi32, #tpu.memory_space<hbm>> -> memref<128xi32, #tpu.memory_space<hbm>>
        tpu.enqueue_dma source(%dma_start3A_320 : memref<128xi32, #tpu.memory_space<hbm>>) target(%arg4 : memref<128xi32, #tpu.memory_space<vmem>>) target_semaphore(%run_scoped3A : memref<!tpu.dma_semaphore, #tpu.memory_space<semaphore_mem>>)
        %dma_wait3A = tpu.memref_slice %arg2[%add3A_319] : memref<320000xi32, #tpu.memory_space<hbm>> -> memref<128xi32, #tpu.memory_space<hbm>>
        %dma_wait3A_321 = tpu.memref_slice %arg2[%add3A_319] : memref<320000xi32, #tpu.memory_space<hbm>> -> memref<128xi32, #tpu.memory_space<hbm>>
        tpu.wait_dma2 semaphore(%run_scoped3A : memref<!tpu.dma_semaphore, #tpu.memory_space<semaphore_mem>>) src(%dma_wait3A_321 : memref<128xi32, #tpu.memory_space<hbm>>) dst(%arg4 : memref<128xi32, #tpu.memory_space<vmem>>)
        tpu.yield
      }) : () -> ()
      "tpu.region"() ({
        %run_scoped3A = tpu.sem_alloc : memref<!tpu.dma_semaphore, #tpu.memory_space<semaphore_mem>>
        %dma_start3A = arith.constant 0 : i32
        %dma_start3A_320 = tpu.memref_slice %arg9[%dma_start3A] : memref<10000xf32, #tpu.memory_space<vmem_shared>> -> memref<10000xf32, #tpu.memory_space<vmem_shared>>
        tpu.enqueue_indirect_dma source(%arg5 : memref<128xf32, #tpu.memory_space<vmem>>) target(%dma_start3A_320 : memref<10000xf32, #tpu.memory_space<vmem_shared>>) offsets(%arg4 : memref<128xi32, #tpu.memory_space<vmem>>) semaphore(%run_scoped3A : memref<!tpu.dma_semaphore, #tpu.memory_space<semaphore_mem>>) {add = true}
        %dma_wait3A = arith.constant 0 : i32
        %dma_wait3A_321 = tpu.memref_slice %arg9[%dma_wait3A] : memref<10000xf32, #tpu.memory_space<vmem_shared>> -> memref<10000xf32, #tpu.memory_space<vmem_shared>>
        tpu.wait_indirect_dma semaphore(%run_scoped3A : memref<!tpu.dma_semaphore, #tpu.memory_space<semaphore_mem>>) src(%arg5 : memref<128xf32, #tpu.memory_space<vmem>>) dst(%dma_wait3A_321 : memref<10000xf32, #tpu.memory_space<vmem_shared>>)
        tpu.yield
      }) : () -> ()
    }
    %scan3A_296 = arith.constant 78 : i32
    %add3A_297 = arith.constant 9984 : i32
    %add3A_298 = arith.addi %mul3A_292, %add3A_297 : i32
    "tpu.region"() ({
      %run_scoped3A = tpu.sem_alloc : memref<!tpu.dma_semaphore, #tpu.memory_space<semaphore_mem>>
      %dma_start3A = tpu.memref_slice %arg2[%add3A_298] : memref<320000xi32, #tpu.memory_space<hbm>> -> memref<16xi32, #tpu.memory_space<hbm>>
      %dma_start3A_312 = tpu.memref_slice %arg2[%add3A_298] : memref<320000xi32, #tpu.memory_space<hbm>> -> memref<16xi32, #tpu.memory_space<hbm>>
      tpu.enqueue_dma source(%dma_start3A_312 : memref<16xi32, #tpu.memory_space<hbm>>) target(%arg6 : memref<16xi32, #tpu.memory_space<vmem>>) target_semaphore(%run_scoped3A : memref<!tpu.dma_semaphore, #tpu.memory_space<semaphore_mem>>)
      %dma_wait3A = tpu.memref_slice %arg2[%add3A_298] : memref<320000xi32, #tpu.memory_space<hbm>> -> memref<16xi32, #tpu.memory_space<hbm>>
      %dma_wait3A_313 = tpu.memref_slice %arg2[%add3A_298] : memref<320000xi32, #tpu.memory_space<hbm>> -> memref<16xi32, #tpu.memory_space<hbm>>
      tpu.wait_dma2 semaphore(%run_scoped3A : memref<!tpu.dma_semaphore, #tpu.memory_space<semaphore_mem>>) src(%dma_wait3A_313 : memref<16xi32, #tpu.memory_space<hbm>>) dst(%arg6 : memref<16xi32, #tpu.memory_space<vmem>>)
      tpu.yield
    }) : () -> ()
    "tpu.region"() ({
      %run_scoped3A = tpu.sem_alloc : memref<!tpu.dma_semaphore, #tpu.memory_space<semaphore_mem>>
      %dma_start3A = arith.constant 0 : i32
      %dma_start3A_312 = tpu.memref_slice %arg9[%dma_start3A] : memref<10000xf32, #tpu.memory_space<vmem_shared>> -> memref<10000xf32, #tpu.memory_space<vmem_shared>>
      tpu.enqueue_indirect_dma source(%arg7 : memref<16xf32, #tpu.memory_space<vmem>>) target(%dma_start3A_312 : memref<10000xf32, #tpu.memory_space<vmem_shared>>) offsets(%arg6 : memref<16xi32, #tpu.memory_space<vmem>>) semaphore(%run_scoped3A : memref<!tpu.dma_semaphore, #tpu.memory_space<semaphore_mem>>) {add = true}
      %dma_wait3A = arith.constant 0 : i32
      %dma_wait3A_313 = tpu.memref_slice %arg9[%dma_wait3A] : memref<10000xf32, #tpu.memory_space<vmem_shared>> -> memref<10000xf32, #tpu.memory_space<vmem_shared>>
      tpu.wait_indirect_dma semaphore(%run_scoped3A : memref<!tpu.dma_semaphore, #tpu.memory_space<semaphore_mem>>) src(%arg7 : memref<16xf32, #tpu.memory_space<vmem>>) dst(%dma_wait3A_313 : memref<10000xf32, #tpu.memory_space<vmem_shared>>)
      tpu.yield
    }) : () -> ()
    %barrier3A_299 = arith.constant 0 : index
    tpu.barrier barrier_id(%barrier3A_299)
    %mul3A_300 = arith.constant 624 : i32
    %mul3A_301 = arith.muli %arg1, %mul3A_300 : i32
    "tpu.region"() ({
      %run_scoped3A = tpu.sem_alloc : memref<!tpu.dma_semaphore, #tpu.memory_space<semaphore_mem>>
      %dma_start3A = tpu.memref_slice %arg9[%mul3A_301] : memref<10000xf32, #tpu.memory_space<vmem_shared>> -> memref<624xf32, #tpu.memory_space<vmem_shared>>
      %dma_start3A_312 = tpu.memref_slice %arg9[%mul3A_301] : memref<10000xf32, #tpu.memory_space<vmem_shared>> -> memref<624xf32, #tpu.memory_space<vmem_shared>>
      tpu.enqueue_dma source(%dma_start3A_312 : memref<624xf32, #tpu.memory_space<vmem_shared>>) target(%arg8 : memref<624xf32, #tpu.memory_space<vmem>>) target_semaphore(%run_scoped3A : memref<!tpu.dma_semaphore, #tpu.memory_space<semaphore_mem>>)
      %dma_wait3A = tpu.memref_slice %arg9[%mul3A_301] : memref<10000xf32, #tpu.memory_space<vmem_shared>> -> memref<624xf32, #tpu.memory_space<vmem_shared>>
      %dma_wait3A_313 = tpu.memref_slice %arg9[%mul3A_301] : memref<10000xf32, #tpu.memory_space<vmem_shared>> -> memref<624xf32, #tpu.memory_space<vmem_shared>>
      tpu.wait_dma2 semaphore(%run_scoped3A : memref<!tpu.dma_semaphore, #tpu.memory_space<semaphore_mem>>) src(%dma_wait3A_313 : memref<624xf32, #tpu.memory_space<vmem_shared>>) dst(%arg8 : memref<624xf32, #tpu.memory_space<vmem>>)
      tpu.yield
    }) : () -> ()
    %mul3A_302 = arith.constant 10000 : i32
    %mul3A_303 = arith.muli %arg0, %mul3A_302 : i32
    %mul3A_304 = arith.constant 624 : i32
    %mul3A_305 = arith.muli %arg1, %mul3A_304 : i32
    %add3A_306 = arith.addi %mul3A_303, %mul3A_305 : i32
    "tpu.region"() ({
      %run_scoped3A = tpu.sem_alloc : memref<!tpu.dma_semaphore, #tpu.memory_space<semaphore_mem>>
      %dma_start3A = tpu.memref_slice %arg3[%add3A_306] : memref<20000xf32, #tpu.memory_space<hbm>> -> memref<624xf32, #tpu.memory_space<hbm>>
      %dma_start3A_312 = tpu.memref_slice %arg3[%add3A_306] : memref<20000xf32, #tpu.memory_space<hbm>> -> memref<624xf32, #tpu.memory_space<hbm>>
      tpu.enqueue_dma source(%arg8 : memref<624xf32, #tpu.memory_space<vmem>>) target(%dma_start3A_312 : memref<624xf32, #tpu.memory_space<hbm>>) target_semaphore(%run_scoped3A : memref<!tpu.dma_semaphore, #tpu.memory_space<semaphore_mem>>)
      %dma_wait3A = tpu.memref_slice %arg3[%add3A_306] : memref<20000xf32, #tpu.memory_space<hbm>> -> memref<624xf32, #tpu.memory_space<hbm>>
      %dma_wait3A_313 = tpu.memref_slice %arg3[%add3A_306] : memref<20000xf32, #tpu.memory_space<hbm>> -> memref<624xf32, #tpu.memory_space<hbm>>
      tpu.wait_dma2 semaphore(%run_scoped3A : memref<!tpu.dma_semaphore, #tpu.memory_space<semaphore_mem>>) src(%arg8 : memref<624xf32, #tpu.memory_space<vmem>>) dst(%dma_wait3A_313 : memref<624xf32, #tpu.memory_space<hbm>>)
      tpu.yield
    }) : () -> ()
    %eq3A_307 = arith.constant 0 : i32
    %eq3A_308 = arith.cmpi eq, %arg1, %eq3A_307 : i32
    %convert_element_type3A_309 = arith.extui %eq3A_308 : i1 to i32
    %cond3A_310 = arith.constant 0 : i32
    %cond3A_311 = arith.cmpi ne, %convert_element_type3A_309, %cond3A_310 : i32
    scf.if %cond3A_311 {
      "tpu.region"() ({
        %run_scoped3A = tpu.sem_alloc : memref<!tpu.dma_semaphore, #tpu.memory_space<semaphore_mem>>
        %dma_start3A = arith.constant 9984 : i32
        %dma_start3A_316 = tpu.memref_slice %arg9[%dma_start3A] : memref<10000xf32, #tpu.memory_space<vmem_shared>> -> memref<16xf32, #tpu.memory_space<vmem_shared>>
        %dma_start3A_317 = arith.constant 9984 : i32
        %dma_start3A_318 = tpu.memref_slice %arg9[%dma_start3A_317] : memref<10000xf32, #tpu.memory_space<vmem_shared>> -> memref<16xf32, #tpu.memory_space<vmem_shared>>
        tpu.enqueue_dma source(%dma_start3A_318 : memref<16xf32, #tpu.memory_space<vmem_shared>>) target(%arg7 : memref<16xf32, #tpu.memory_space<vmem>>) target_semaphore(%run_scoped3A : memref<!tpu.dma_semaphore, #tpu.memory_space<semaphore_mem>>)
        %dma_wait3A = arith.constant 9984 : i32
        %dma_wait3A_319 = tpu.memref_slice %arg9[%dma_wait3A] : memref<10000xf32, #tpu.memory_space<vmem_shared>> -> memref<16xf32, #tpu.memory_space<vmem_shared>>
        %dma_wait3A_320 = arith.constant 9984 : i32
        %dma_wait3A_321 = tpu.memref_slice %arg9[%dma_wait3A_320] : memref<10000xf32, #tpu.memory_space<vmem_shared>> -> memref<16xf32, #tpu.memory_space<vmem_shared>>
        tpu.wait_dma2 semaphore(%run_scoped3A : memref<!tpu.dma_semaphore, #tpu.memory_space<semaphore_mem>>) src(%dma_wait3A_321 : memref<16xf32, #tpu.memory_space<vmem_shared>>) dst(%arg7 : memref<16xf32, #tpu.memory_space<vmem>>)
        tpu.yield
      }) : () -> ()
      %mul3A_312 = arith.constant 10000 : i32
      %mul3A_313 = arith.muli %arg0, %mul3A_312 : i32
      %add3A_314 = arith.constant 9984 : i32
      %add3A_315 = arith.addi %mul3A_313, %add3A_314 : i32
      "tpu.region"() ({
        %run_scoped3A = tpu.sem_alloc : memref<!tpu.dma_semaphore, #tpu.memory_space<semaphore_mem>>
        %dma_start3A = tpu.memref_slice %arg3[%add3A_315] : memref<20000xf32, #tpu.memory_space<hbm>> -> memref<16xf32, #tpu.memory_space<hbm>>
        %dma_start3A_316 = tpu.memref_slice %arg3[%add3A_315] : memref<20000xf32, #tpu.memory_space<hbm>> -> memref<16xf32, #tpu.memory_space<hbm>>
        tpu.enqueue_dma source(%arg7 : memref<16xf32, #tpu.memory_space<vmem>>) target(%dma_start3A_316 : memref<16xf32, #tpu.memory_space<hbm>>) target_semaphore(%run_scoped3A : memref<!tpu.dma_semaphore, #tpu.memory_space<semaphore_mem>>)
        %dma_wait3A = tpu.memref_slice %arg3[%add3A_315] : memref<20000xf32, #tpu.memory_space<hbm>> -> memref<16xf32, #tpu.memory_space<hbm>>
        %dma_wait3A_317 = tpu.memref_slice %arg3[%add3A_315] : memref<20000xf32, #tpu.memory_space<hbm>> -> memref<16xf32, #tpu.memory_space<hbm>>
        tpu.wait_dma2 semaphore(%run_scoped3A : memref<!tpu.dma_semaphore, #tpu.memory_space<semaphore_mem>>) src(%arg7 : memref<16xf32, #tpu.memory_space<vmem>>) dst(%dma_wait3A_317 : memref<16xf32, #tpu.memory_space<hbm>>)
        tpu.yield
      }) : () -> ()
    } else {
    }
    return
  }
}

#map = affine_map<(d0, d1) -> (0)>
#map1 = affine_map<(d0, d1) -> (0, 0)>
#map2 = affine_map<(d0, d1) -> (0, 0, 0)>
module attributes {stable_mosaic.version = 14 : i64} {
  func.func @_sc_scatter(%arg0: i32, %arg1: i32, %arg2: memref<320000xi32, #tpu.memory_space<hbm>>, %arg3: memref<320000xi32, #tpu.memory_space<hbm>>, %arg4: memref<10000x128xf32, #tpu.memory_space<hbm>>, %arg5: memref<10000x128xf32, #tpu.memory_space<hbm>>, %arg6: memref<2x10000x128xf32, #tpu.memory_space<hbm>>, %arg7: memref<128xi32, #tpu.memory_space<vmem>>, %arg8: memref<128xi32, #tpu.memory_space<vmem>>, %arg9: memref<128xi32, #tpu.memory_space<vmem>>, %arg10: memref<128xi32, #tpu.memory_space<vmem>>, %arg11: memref<128x128xf32, #tpu.memory_space<vmem>>, %arg12: memref<128x128xf32, #tpu.memory_space<vmem>>, %arg13: memref<16xi32, #tpu.memory_space<vmem>>, %arg14: memref<16xi32, #tpu.memory_space<vmem>>, %arg15: memref<16x128xf32, #tpu.memory_space<vmem>>, %arg16: memref<10000x128xf32, #tpu.memory_space<vmem_shared>>, %arg17: memref<!tpu.dma_semaphore, #tpu.memory_space<semaphore_mem>>, %arg18: memref<!tpu.dma_semaphore, #tpu.memory_space<semaphore_mem>>) attributes {dimension_semantics = [#tpu.dimension_semantics<core_parallel>, #tpu.dimension_semantics<subcore_parallel>], iteration_bounds = array<i64: 2, 16>, scalar_prefetch = 0 : i64, scratch_operands = 12 : i64, tpu.core_type = #tpu.core_type<sc_vector_subcore>, window_params = [{transform_indices = #map}, {transform_indices = #map}, {transform_indices = #map1}, {transform_indices = #map1}, {transform_indices = #map2}]} {
    %mul3A = arith.constant 2 : i32
    %mul3A_0 = arith.muli %arg1, %mul3A : i32
    %add3A = arith.addi %mul3A_0, %arg0 : i32
    %mul3A_1 = arith.constant 624 : i32
    %mul3A_2 = arith.muli %arg1, %mul3A_1 : i32
    %mul3A_3 = arith.constant 624 : i32
    %mul3A_4 = arith.muli %arg1, %mul3A_3 : i32
    "tpu.region"() ({
      %run_scoped3A = tpu.sem_alloc : memref<!tpu.dma_semaphore, #tpu.memory_space<semaphore_mem>>
      %dma_start3A_31 = arith.constant 0 : i32
      %dma_start3A_32 = tpu.memref_slice %arg16[%mul3A_4, %dma_start3A_31] : memref<10000x128xf32, #tpu.memory_space<vmem_shared>> -> memref<624x128xf32, #tpu.memory_space<vmem_shared>>
      %dma_start3A_33 = arith.constant 0 : i32
      %dma_start3A_34 = tpu.memref_slice %arg5[%mul3A_2, %dma_start3A_33] : memref<10000x128xf32, #tpu.memory_space<hbm>> -> memref<624x128xf32, #tpu.memory_space<hbm>>
      tpu.enqueue_dma source(%dma_start3A_34 : memref<624x128xf32, #tpu.memory_space<hbm>>) target(%dma_start3A_32 : memref<624x128xf32, #tpu.memory_space<vmem_shared>>) target_semaphore(%run_scoped3A : memref<!tpu.dma_semaphore, #tpu.memory_space<semaphore_mem>>)
      %dma_wait3A_35 = arith.constant 0 : i32
      %dma_wait3A_36 = tpu.memref_slice %arg16[%mul3A_4, %dma_wait3A_35] : memref<10000x128xf32, #tpu.memory_space<vmem_shared>> -> memref<624x128xf32, #tpu.memory_space<vmem_shared>>
      %dma_wait3A_37 = arith.constant 0 : i32
      %dma_wait3A_38 = tpu.memref_slice %arg5[%mul3A_2, %dma_wait3A_37] : memref<10000x128xf32, #tpu.memory_space<hbm>> -> memref<624x128xf32, #tpu.memory_space<hbm>>
      tpu.wait_dma2 semaphore(%run_scoped3A : memref<!tpu.dma_semaphore, #tpu.memory_space<semaphore_mem>>) src(%dma_wait3A_38 : memref<624x128xf32, #tpu.memory_space<hbm>>) dst(%dma_wait3A_36 : memref<624x128xf32, #tpu.memory_space<vmem_shared>>)
      tpu.yield
    }) : () -> ()
    %eq3A = arith.constant 0 : i32
    %eq3A_5 = arith.cmpi eq, %arg1, %eq3A : i32
    %convert_element_type3A = arith.extui %eq3A_5 : i1 to i32
    %cond3A = arith.constant 0 : i32
    %cond3A_6 = arith.cmpi ne, %convert_element_type3A, %cond3A : i32
    scf.if %cond3A_6 {
      "tpu.region"() ({
        %run_scoped3A = tpu.sem_alloc : memref<!tpu.dma_semaphore, #tpu.memory_space<semaphore_mem>>
        %dma_start3A_31 = arith.constant 9984 : i32
        %dma_start3A_32 = arith.constant 0 : i32
        %dma_start3A_33 = tpu.memref_slice %arg16[%dma_start3A_31, %dma_start3A_32] : memref<10000x128xf32, #tpu.memory_space<vmem_shared>> -> memref<16x128xf32, #tpu.memory_space<vmem_shared>>
        %dma_start3A_34 = arith.constant 9984 : i32
        %dma_start3A_35 = arith.constant 0 : i32
        %dma_start3A_36 = tpu.memref_slice %arg5[%dma_start3A_34, %dma_start3A_35] : memref<10000x128xf32, #tpu.memory_space<hbm>> -> memref<16x128xf32, #tpu.memory_space<hbm>>
        tpu.enqueue_dma source(%dma_start3A_36 : memref<16x128xf32, #tpu.memory_space<hbm>>) target(%dma_start3A_33 : memref<16x128xf32, #tpu.memory_space<vmem_shared>>) target_semaphore(%run_scoped3A : memref<!tpu.dma_semaphore, #tpu.memory_space<semaphore_mem>>)
        %dma_wait3A_37 = arith.constant 9984 : i32
        %dma_wait3A_38 = arith.constant 0 : i32
        %dma_wait3A_39 = tpu.memref_slice %arg16[%dma_wait3A_37, %dma_wait3A_38] : memref<10000x128xf32, #tpu.memory_space<vmem_shared>> -> memref<16x128xf32, #tpu.memory_space<vmem_shared>>
        %dma_wait3A_40 = arith.constant 9984 : i32
        %dma_wait3A_41 = arith.constant 0 : i32
        %dma_wait3A_42 = tpu.memref_slice %arg5[%dma_wait3A_40, %dma_wait3A_41] : memref<10000x128xf32, #tpu.memory_space<hbm>> -> memref<16x128xf32, #tpu.memory_space<hbm>>
        tpu.wait_dma2 semaphore(%run_scoped3A : memref<!tpu.dma_semaphore, #tpu.memory_space<semaphore_mem>>) src(%dma_wait3A_42 : memref<16x128xf32, #tpu.memory_space<hbm>>) dst(%dma_wait3A_39 : memref<16x128xf32, #tpu.memory_space<vmem_shared>>)
        tpu.yield
      }) : () -> ()
    } else {
    }
    %barrier3A = arith.constant 0 : index
    tpu.barrier barrier_id(%barrier3A)
    %mul3A_7 = arith.constant 10000 : i32
    %mul3A_8 = arith.muli %add3A, %mul3A_7 : i32
    %scan3A = arith.constant 0 : i32
    %scan3A_9 = arith.constant 39 : i32
    %scan3A_10 = arith.addi %scan3A, %scan3A_9 : i32
    %scan3A_11 = arith.constant 1 : i32
    scf.for %scan3A_31 = %scan3A to %scan3A_10 step %scan3A_11  : i32 {
      %mul3A_32 = arith.constant 1 : i32
      %mul3A_33 = arith.muli %scan3A_31, %mul3A_32 : i32
      %add3A_34 = arith.constant 0 : i32
      %add3A_35 = arith.addi %add3A_34, %mul3A_33 : i32
      %mul3A_36 = arith.constant 2 : i32
      %mul3A_37 = arith.muli %mul3A_36, %add3A_35 : i32
      %mul3A_38 = arith.constant 128 : i32
      %mul3A_39 = arith.muli %mul3A_37, %mul3A_38 : i32
      %add3A_40 = arith.addi %mul3A_8, %mul3A_39 : i32
      "tpu.region"() ({
        %run_scoped3A = tpu.sem_alloc : memref<!tpu.dma_semaphore, #tpu.memory_space<semaphore_mem>>
        %dma_start3A_66 = tpu.memref_slice %arg2[%add3A_40] : memref<320000xi32, #tpu.memory_space<hbm>> -> memref<128xi32, #tpu.memory_space<hbm>>
        %dma_start3A_67 = tpu.memref_slice %arg2[%add3A_40] : memref<320000xi32, #tpu.memory_space<hbm>> -> memref<128xi32, #tpu.memory_space<hbm>>
        tpu.enqueue_dma source(%dma_start3A_67 : memref<128xi32, #tpu.memory_space<hbm>>) target(%arg7 : memref<128xi32, #tpu.memory_space<vmem>>) target_semaphore(%run_scoped3A : memref<!tpu.dma_semaphore, #tpu.memory_space<semaphore_mem>>)
        %dma_wait3A_68 = tpu.memref_slice %arg2[%add3A_40] : memref<320000xi32, #tpu.memory_space<hbm>> -> memref<128xi32, #tpu.memory_space<hbm>>
        %dma_wait3A_69 = tpu.memref_slice %arg2[%add3A_40] : memref<320000xi32, #tpu.memory_space<hbm>> -> memref<128xi32, #tpu.memory_space<hbm>>
        tpu.wait_dma2 semaphore(%run_scoped3A : memref<!tpu.dma_semaphore, #tpu.memory_space<semaphore_mem>>) src(%dma_wait3A_69 : memref<128xi32, #tpu.memory_space<hbm>>) dst(%arg7 : memref<128xi32, #tpu.memory_space<vmem>>)
        tpu.yield
      }) : () -> ()
      %mul3A_41 = arith.constant 128 : i32
      %mul3A_42 = arith.muli %mul3A_37, %mul3A_41 : i32
      %add3A_43 = arith.addi %mul3A_8, %mul3A_42 : i32
      "tpu.region"() ({
        %run_scoped3A = tpu.sem_alloc : memref<!tpu.dma_semaphore, #tpu.memory_space<semaphore_mem>>
        %dma_start3A_66 = tpu.memref_slice %arg3[%add3A_43] : memref<320000xi32, #tpu.memory_space<hbm>> -> memref<128xi32, #tpu.memory_space<hbm>>
        %dma_start3A_67 = tpu.memref_slice %arg3[%add3A_43] : memref<320000xi32, #tpu.memory_space<hbm>> -> memref<128xi32, #tpu.memory_space<hbm>>
        tpu.enqueue_dma source(%dma_start3A_67 : memref<128xi32, #tpu.memory_space<hbm>>) target(%arg9 : memref<128xi32, #tpu.memory_space<vmem>>) target_semaphore(%run_scoped3A : memref<!tpu.dma_semaphore, #tpu.memory_space<semaphore_mem>>)
        %dma_wait3A_68 = tpu.memref_slice %arg3[%add3A_43] : memref<320000xi32, #tpu.memory_space<hbm>> -> memref<128xi32, #tpu.memory_space<hbm>>
        %dma_wait3A_69 = tpu.memref_slice %arg3[%add3A_43] : memref<320000xi32, #tpu.memory_space<hbm>> -> memref<128xi32, #tpu.memory_space<hbm>>
        tpu.wait_dma2 semaphore(%run_scoped3A : memref<!tpu.dma_semaphore, #tpu.memory_space<semaphore_mem>>) src(%dma_wait3A_69 : memref<128xi32, #tpu.memory_space<hbm>>) dst(%arg9 : memref<128xi32, #tpu.memory_space<vmem>>)
        tpu.yield
      }) : () -> ()
      %add3A_44 = arith.constant 1 : i32
      %add3A_45 = arith.addi %mul3A_37, %add3A_44 : i32
      %mul3A_46 = arith.constant 128 : i32
      %mul3A_47 = arith.muli %add3A_45, %mul3A_46 : i32
      %add3A_48 = arith.addi %mul3A_8, %mul3A_47 : i32
      "tpu.region"() ({
        %run_scoped3A = tpu.sem_alloc : memref<!tpu.dma_semaphore, #tpu.memory_space<semaphore_mem>>
        %dma_start3A_66 = tpu.memref_slice %arg2[%add3A_48] : memref<320000xi32, #tpu.memory_space<hbm>> -> memref<128xi32, #tpu.memory_space<hbm>>
        %dma_start3A_67 = tpu.memref_slice %arg2[%add3A_48] : memref<320000xi32, #tpu.memory_space<hbm>> -> memref<128xi32, #tpu.memory_space<hbm>>
        tpu.enqueue_dma source(%dma_start3A_67 : memref<128xi32, #tpu.memory_space<hbm>>) target(%arg8 : memref<128xi32, #tpu.memory_space<vmem>>) target_semaphore(%run_scoped3A : memref<!tpu.dma_semaphore, #tpu.memory_space<semaphore_mem>>)
        %dma_wait3A_68 = tpu.memref_slice %arg2[%add3A_48] : memref<320000xi32, #tpu.memory_space<hbm>> -> memref<128xi32, #tpu.memory_space<hbm>>
        %dma_wait3A_69 = tpu.memref_slice %arg2[%add3A_48] : memref<320000xi32, #tpu.memory_space<hbm>> -> memref<128xi32, #tpu.memory_space<hbm>>
        tpu.wait_dma2 semaphore(%run_scoped3A : memref<!tpu.dma_semaphore, #tpu.memory_space<semaphore_mem>>) src(%dma_wait3A_69 : memref<128xi32, #tpu.memory_space<hbm>>) dst(%arg8 : memref<128xi32, #tpu.memory_space<vmem>>)
        tpu.yield
      }) : () -> ()
      %add3A_49 = arith.constant 1 : i32
      %add3A_50 = arith.addi %mul3A_37, %add3A_49 : i32
      %mul3A_51 = arith.constant 128 : i32
      %mul3A_52 = arith.muli %add3A_50, %mul3A_51 : i32
      %add3A_53 = arith.addi %mul3A_8, %mul3A_52 : i32
      "tpu.region"() ({
        %run_scoped3A = tpu.sem_alloc : memref<!tpu.dma_semaphore, #tpu.memory_space<semaphore_mem>>
        %dma_start3A_66 = tpu.memref_slice %arg3[%add3A_53] : memref<320000xi32, #tpu.memory_space<hbm>> -> memref<128xi32, #tpu.memory_space<hbm>>
        %dma_start3A_67 = tpu.memref_slice %arg3[%add3A_53] : memref<320000xi32, #tpu.memory_space<hbm>> -> memref<128xi32, #tpu.memory_space<hbm>>
        tpu.enqueue_dma source(%dma_start3A_67 : memref<128xi32, #tpu.memory_space<hbm>>) target(%arg10 : memref<128xi32, #tpu.memory_space<vmem>>) target_semaphore(%run_scoped3A : memref<!tpu.dma_semaphore, #tpu.memory_space<semaphore_mem>>)
        %dma_wait3A_68 = tpu.memref_slice %arg3[%add3A_53] : memref<320000xi32, #tpu.memory_space<hbm>> -> memref<128xi32, #tpu.memory_space<hbm>>
        %dma_wait3A_69 = tpu.memref_slice %arg3[%add3A_53] : memref<320000xi32, #tpu.memory_space<hbm>> -> memref<128xi32, #tpu.memory_space<hbm>>
        tpu.wait_dma2 semaphore(%run_scoped3A : memref<!tpu.dma_semaphore, #tpu.memory_space<semaphore_mem>>) src(%dma_wait3A_69 : memref<128xi32, #tpu.memory_space<hbm>>) dst(%arg10 : memref<128xi32, #tpu.memory_space<vmem>>)
        tpu.yield
      }) : () -> ()
      %dma_start3A_54 = arith.constant 0 : i32
      %dma_start3A_55 = arith.constant 0 : i32
      %dma_start3A_56 = tpu.memref_slice %arg4[%dma_start3A_54, %dma_start3A_55] : memref<10000x128xf32, #tpu.memory_space<hbm>> -> memref<10000x128xf32, #tpu.memory_space<hbm>>
      tpu.enqueue_indirect_dma source(%dma_start3A_56 : memref<10000x128xf32, #tpu.memory_space<hbm>>) target(%arg11 : memref<128x128xf32, #tpu.memory_space<vmem>>) offsets(%arg7 : memref<128xi32, #tpu.memory_space<vmem>>) semaphore(%arg17 : memref<!tpu.dma_semaphore, #tpu.memory_space<semaphore_mem>>)
      %dma_start3A_57 = arith.constant 0 : i32
      %dma_start3A_58 = arith.constant 0 : i32
      %dma_start3A_59 = tpu.memref_slice %arg4[%dma_start3A_57, %dma_start3A_58] : memref<10000x128xf32, #tpu.memory_space<hbm>> -> memref<10000x128xf32, #tpu.memory_space<hbm>>
      tpu.enqueue_indirect_dma source(%dma_start3A_59 : memref<10000x128xf32, #tpu.memory_space<hbm>>) target(%arg12 : memref<128x128xf32, #tpu.memory_space<vmem>>) offsets(%arg8 : memref<128xi32, #tpu.memory_space<vmem>>) semaphore(%arg18 : memref<!tpu.dma_semaphore, #tpu.memory_space<semaphore_mem>>)
      %dma_wait3A_60 = arith.constant 0 : i32
      %dma_wait3A_61 = arith.constant 0 : i32
      %dma_wait3A_62 = tpu.memref_slice %arg4[%dma_wait3A_60, %dma_wait3A_61] : memref<10000x128xf32, #tpu.memory_space<hbm>> -> memref<10000x128xf32, #tpu.memory_space<hbm>>
      tpu.wait_indirect_dma semaphore(%arg17 : memref<!tpu.dma_semaphore, #tpu.memory_space<semaphore_mem>>) src(%dma_wait3A_62 : memref<10000x128xf32, #tpu.memory_space<hbm>>) dst(%arg11 : memref<128x128xf32, #tpu.memory_space<vmem>>)
      "tpu.region"() ({
        %run_scoped3A = tpu.sem_alloc : memref<!tpu.dma_semaphore, #tpu.memory_space<semaphore_mem>>
        %dma_start3A_66 = arith.constant 0 : i32
        %dma_start3A_67 = arith.constant 0 : i32
        %dma_start3A_68 = tpu.memref_slice %arg16[%dma_start3A_66, %dma_start3A_67] : memref<10000x128xf32, #tpu.memory_space<vmem_shared>> -> memref<10000x128xf32, #tpu.memory_space<vmem_shared>>
        tpu.enqueue_indirect_dma source(%arg11 : memref<128x128xf32, #tpu.memory_space<vmem>>) target(%dma_start3A_68 : memref<10000x128xf32, #tpu.memory_space<vmem_shared>>) offsets(%arg9 : memref<128xi32, #tpu.memory_space<vmem>>) semaphore(%run_scoped3A : memref<!tpu.dma_semaphore, #tpu.memory_space<semaphore_mem>>) {add = true}
        %dma_wait3A_69 = arith.constant 0 : i32
        %dma_wait3A_70 = arith.constant 0 : i32
        %dma_wait3A_71 = tpu.memref_slice %arg16[%dma_wait3A_69, %dma_wait3A_70] : memref<10000x128xf32, #tpu.memory_space<vmem_shared>> -> memref<10000x128xf32, #tpu.memory_space<vmem_shared>>
        tpu.wait_indirect_dma semaphore(%run_scoped3A : memref<!tpu.dma_semaphore, #tpu.memory_space<semaphore_mem>>) src(%arg11 : memref<128x128xf32, #tpu.memory_space<vmem>>) dst(%dma_wait3A_71 : memref<10000x128xf32, #tpu.memory_space<vmem_shared>>)
        tpu.yield
      }) : () -> ()
      %dma_wait3A_63 = arith.constant 0 : i32
      %dma_wait3A_64 = arith.constant 0 : i32
      %dma_wait3A_65 = tpu.memref_slice %arg4[%dma_wait3A_63, %dma_wait3A_64] : memref<10000x128xf32, #tpu.memory_space<hbm>> -> memref<10000x128xf32, #tpu.memory_space<hbm>>
      tpu.wait_indirect_dma semaphore(%arg18 : memref<!tpu.dma_semaphore, #tpu.memory_space<semaphore_mem>>) src(%dma_wait3A_65 : memref<10000x128xf32, #tpu.memory_space<hbm>>) dst(%arg12 : memref<128x128xf32, #tpu.memory_space<vmem>>)
      "tpu.region"() ({
        %run_scoped3A = tpu.sem_alloc : memref<!tpu.dma_semaphore, #tpu.memory_space<semaphore_mem>>
        %dma_start3A_66 = arith.constant 0 : i32
        %dma_start3A_67 = arith.constant 0 : i32
        %dma_start3A_68 = tpu.memref_slice %arg16[%dma_start3A_66, %dma_start3A_67] : memref<10000x128xf32, #tpu.memory_space<vmem_shared>> -> memref<10000x128xf32, #tpu.memory_space<vmem_shared>>
        tpu.enqueue_indirect_dma source(%arg12 : memref<128x128xf32, #tpu.memory_space<vmem>>) target(%dma_start3A_68 : memref<10000x128xf32, #tpu.memory_space<vmem_shared>>) offsets(%arg10 : memref<128xi32, #tpu.memory_space<vmem>>) semaphore(%run_scoped3A : memref<!tpu.dma_semaphore, #tpu.memory_space<semaphore_mem>>) {add = true}
        %dma_wait3A_69 = arith.constant 0 : i32
        %dma_wait3A_70 = arith.constant 0 : i32
        %dma_wait3A_71 = tpu.memref_slice %arg16[%dma_wait3A_69, %dma_wait3A_70] : memref<10000x128xf32, #tpu.memory_space<vmem_shared>> -> memref<10000x128xf32, #tpu.memory_space<vmem_shared>>
        tpu.wait_indirect_dma semaphore(%run_scoped3A : memref<!tpu.dma_semaphore, #tpu.memory_space<semaphore_mem>>) src(%arg12 : memref<128x128xf32, #tpu.memory_space<vmem>>) dst(%dma_wait3A_71 : memref<10000x128xf32, #tpu.memory_space<vmem_shared>>)
        tpu.yield
      }) : () -> ()
    }
    %scan3A_12 = arith.constant 39 : i32
    %add3A_13 = arith.constant 9984 : i32
    %add3A_14 = arith.addi %mul3A_8, %add3A_13 : i32
    "tpu.region"() ({
      %run_scoped3A = tpu.sem_alloc : memref<!tpu.dma_semaphore, #tpu.memory_space<semaphore_mem>>
      %dma_start3A_31 = tpu.memref_slice %arg2[%add3A_14] : memref<320000xi32, #tpu.memory_space<hbm>> -> memref<16xi32, #tpu.memory_space<hbm>>
      %dma_start3A_32 = tpu.memref_slice %arg2[%add3A_14] : memref<320000xi32, #tpu.memory_space<hbm>> -> memref<16xi32, #tpu.memory_space<hbm>>
      tpu.enqueue_dma source(%dma_start3A_32 : memref<16xi32, #tpu.memory_space<hbm>>) target(%arg13 : memref<16xi32, #tpu.memory_space<vmem>>) target_semaphore(%run_scoped3A : memref<!tpu.dma_semaphore, #tpu.memory_space<semaphore_mem>>)
      %dma_wait3A_33 = tpu.memref_slice %arg2[%add3A_14] : memref<320000xi32, #tpu.memory_space<hbm>> -> memref<16xi32, #tpu.memory_space<hbm>>
      %dma_wait3A_34 = tpu.memref_slice %arg2[%add3A_14] : memref<320000xi32, #tpu.memory_space<hbm>> -> memref<16xi32, #tpu.memory_space<hbm>>
      tpu.wait_dma2 semaphore(%run_scoped3A : memref<!tpu.dma_semaphore, #tpu.memory_space<semaphore_mem>>) src(%dma_wait3A_34 : memref<16xi32, #tpu.memory_space<hbm>>) dst(%arg13 : memref<16xi32, #tpu.memory_space<vmem>>)
      tpu.yield
    }) : () -> ()
    %add3A_15 = arith.constant 9984 : i32
    %add3A_16 = arith.addi %mul3A_8, %add3A_15 : i32
    "tpu.region"() ({
      %run_scoped3A = tpu.sem_alloc : memref<!tpu.dma_semaphore, #tpu.memory_space<semaphore_mem>>
      %dma_start3A_31 = tpu.memref_slice %arg3[%add3A_16] : memref<320000xi32, #tpu.memory_space<hbm>> -> memref<16xi32, #tpu.memory_space<hbm>>
      %dma_start3A_32 = tpu.memref_slice %arg3[%add3A_16] : memref<320000xi32, #tpu.memory_space<hbm>> -> memref<16xi32, #tpu.memory_space<hbm>>
      tpu.enqueue_dma source(%dma_start3A_32 : memref<16xi32, #tpu.memory_space<hbm>>) target(%arg14 : memref<16xi32, #tpu.memory_space<vmem>>) target_semaphore(%run_scoped3A : memref<!tpu.dma_semaphore, #tpu.memory_space<semaphore_mem>>)
      %dma_wait3A_33 = tpu.memref_slice %arg3[%add3A_16] : memref<320000xi32, #tpu.memory_space<hbm>> -> memref<16xi32, #tpu.memory_space<hbm>>
      %dma_wait3A_34 = tpu.memref_slice %arg3[%add3A_16] : memref<320000xi32, #tpu.memory_space<hbm>> -> memref<16xi32, #tpu.memory_space<hbm>>
      tpu.wait_dma2 semaphore(%run_scoped3A : memref<!tpu.dma_semaphore, #tpu.memory_space<semaphore_mem>>) src(%dma_wait3A_34 : memref<16xi32, #tpu.memory_space<hbm>>) dst(%arg14 : memref<16xi32, #tpu.memory_space<vmem>>)
      tpu.yield
    }) : () -> ()
    %dma_start3A = arith.constant 0 : i32
    %dma_start3A_17 = arith.constant 0 : i32
    %dma_start3A_18 = tpu.memref_slice %arg4[%dma_start3A, %dma_start3A_17] : memref<10000x128xf32, #tpu.memory_space<hbm>> -> memref<10000x128xf32, #tpu.memory_space<hbm>>
    tpu.enqueue_indirect_dma source(%dma_start3A_18 : memref<10000x128xf32, #tpu.memory_space<hbm>>) target(%arg15 : memref<16x128xf32, #tpu.memory_space<vmem>>) offsets(%arg13 : memref<16xi32, #tpu.memory_space<vmem>>) semaphore(%arg17 : memref<!tpu.dma_semaphore, #tpu.memory_space<semaphore_mem>>)
    %dma_wait3A = arith.constant 0 : i32
    %dma_wait3A_19 = arith.constant 0 : i32
    %dma_wait3A_20 = tpu.memref_slice %arg4[%dma_wait3A, %dma_wait3A_19] : memref<10000x128xf32, #tpu.memory_space<hbm>> -> memref<10000x128xf32, #tpu.memory_space<hbm>>
    tpu.wait_indirect_dma semaphore(%arg17 : memref<!tpu.dma_semaphore, #tpu.memory_space<semaphore_mem>>) src(%dma_wait3A_20 : memref<10000x128xf32, #tpu.memory_space<hbm>>) dst(%arg15 : memref<16x128xf32, #tpu.memory_space<vmem>>)
    "tpu.region"() ({
      %run_scoped3A = tpu.sem_alloc : memref<!tpu.dma_semaphore, #tpu.memory_space<semaphore_mem>>
      %dma_start3A_31 = arith.constant 0 : i32
      %dma_start3A_32 = arith.constant 0 : i32
      %dma_start3A_33 = tpu.memref_slice %arg16[%dma_start3A_31, %dma_start3A_32] : memref<10000x128xf32, #tpu.memory_space<vmem_shared>> -> memref<10000x128xf32, #tpu.memory_space<vmem_shared>>
      tpu.enqueue_indirect_dma source(%arg15 : memref<16x128xf32, #tpu.memory_space<vmem>>) target(%dma_start3A_33 : memref<10000x128xf32, #tpu.memory_space<vmem_shared>>) offsets(%arg14 : memref<16xi32, #tpu.memory_space<vmem>>) semaphore(%run_scoped3A : memref<!tpu.dma_semaphore, #tpu.memory_space<semaphore_mem>>) {add = true}
      %dma_wait3A_34 = arith.constant 0 : i32
      %dma_wait3A_35 = arith.constant 0 : i32
      %dma_wait3A_36 = tpu.memref_slice %arg16[%dma_wait3A_34, %dma_wait3A_35] : memref<10000x128xf32, #tpu.memory_space<vmem_shared>> -> memref<10000x128xf32, #tpu.memory_space<vmem_shared>>
      tpu.wait_indirect_dma semaphore(%run_scoped3A : memref<!tpu.dma_semaphore, #tpu.memory_space<semaphore_mem>>) src(%arg15 : memref<16x128xf32, #tpu.memory_space<vmem>>) dst(%dma_wait3A_36 : memref<10000x128xf32, #tpu.memory_space<vmem_shared>>)
      tpu.yield
    }) : () -> ()
    %barrier3A_21 = arith.constant 0 : index
    tpu.barrier barrier_id(%barrier3A_21)
    %mul3A_22 = arith.constant 624 : i32
    %mul3A_23 = arith.muli %arg1, %mul3A_22 : i32
    %mul3A_24 = arith.constant 624 : i32
    %mul3A_25 = arith.muli %arg1, %mul3A_24 : i32
    "tpu.region"() ({
      %run_scoped3A = tpu.sem_alloc : memref<!tpu.dma_semaphore, #tpu.memory_space<semaphore_mem>>
      %dma_start3A_31 = arith.constant 0 : i32
      %dma_start3A_32 = tpu.memref_slice %arg6[%arg0, %mul3A_25, %dma_start3A_31] : memref<2x10000x128xf32, #tpu.memory_space<hbm>> -> memref<1x624x128xf32, #tpu.memory_space<hbm>>
      %dma_start3A_33 = tpu.memref_squeeze %dma_start3A_32 : memref<1x624x128xf32, #tpu.memory_space<hbm>> -> memref<624x128xf32, #tpu.memory_space<hbm>>
      %dma_start3A_34 = arith.constant 0 : i32
      %dma_start3A_35 = tpu.memref_slice %arg16[%mul3A_23, %dma_start3A_34] : memref<10000x128xf32, #tpu.memory_space<vmem_shared>> -> memref<624x128xf32, #tpu.memory_space<vmem_shared>>
      tpu.enqueue_dma source(%dma_start3A_35 : memref<624x128xf32, #tpu.memory_space<vmem_shared>>) target(%dma_start3A_33 : memref<624x128xf32, #tpu.memory_space<hbm>>) target_semaphore(%run_scoped3A : memref<!tpu.dma_semaphore, #tpu.memory_space<semaphore_mem>>)
      %dma_wait3A_36 = arith.constant 0 : i32
      %dma_wait3A_37 = tpu.memref_slice %arg6[%arg0, %mul3A_25, %dma_wait3A_36] : memref<2x10000x128xf32, #tpu.memory_space<hbm>> -> memref<1x624x128xf32, #tpu.memory_space<hbm>>
      %dma_wait3A_38 = tpu.memref_squeeze %dma_wait3A_37 : memref<1x624x128xf32, #tpu.memory_space<hbm>> -> memref<624x128xf32, #tpu.memory_space<hbm>>
      %dma_wait3A_39 = arith.constant 0 : i32
      %dma_wait3A_40 = tpu.memref_slice %arg16[%mul3A_23, %dma_wait3A_39] : memref<10000x128xf32, #tpu.memory_space<vmem_shared>> -> memref<624x128xf32, #tpu.memory_space<vmem_shared>>
      tpu.wait_dma2 semaphore(%run_scoped3A : memref<!tpu.dma_semaphore, #tpu.memory_space<semaphore_mem>>) src(%dma_wait3A_40 : memref<624x128xf32, #tpu.memory_space<vmem_shared>>) dst(%dma_wait3A_38 : memref<624x128xf32, #tpu.memory_space<hbm>>)
      tpu.yield
    }) : () -> ()
    %eq3A_26 = arith.constant 0 : i32
    %eq3A_27 = arith.cmpi eq, %arg1, %eq3A_26 : i32
    %convert_element_type3A_28 = arith.extui %eq3A_27 : i1 to i32
    %cond3A_29 = arith.constant 0 : i32
    %cond3A_30 = arith.cmpi ne, %convert_element_type3A_28, %cond3A_29 : i32
    scf.if %cond3A_30 {
      "tpu.region"() ({
        %run_scoped3A = tpu.sem_alloc : memref<!tpu.dma_semaphore, #tpu.memory_space<semaphore_mem>>
        %dma_start3A_31 = arith.constant 9984 : i32
        %dma_start3A_32 = arith.constant 0 : i32
        %dma_start3A_33 = tpu.memref_slice %arg6[%arg0, %dma_start3A_31, %dma_start3A_32] : memref<2x10000x128xf32, #tpu.memory_space<hbm>> -> memref<1x16x128xf32, #tpu.memory_space<hbm>>
        %dma_start3A_34 = tpu.memref_squeeze %dma_start3A_33 : memref<1x16x128xf32, #tpu.memory_space<hbm>> -> memref<16x128xf32, #tpu.memory_space<hbm>>
        %dma_start3A_35 = arith.constant 9984 : i32
        %dma_start3A_36 = arith.constant 0 : i32
        %dma_start3A_37 = tpu.memref_slice %arg16[%dma_start3A_35, %dma_start3A_36] : memref<10000x128xf32, #tpu.memory_space<vmem_shared>> -> memref<16x128xf32, #tpu.memory_space<vmem_shared>>
        tpu.enqueue_dma source(%dma_start3A_37 : memref<16x128xf32, #tpu.memory_space<vmem_shared>>) target(%dma_start3A_34 : memref<16x128xf32, #tpu.memory_space<hbm>>) target_semaphore(%run_scoped3A : memref<!tpu.dma_semaphore, #tpu.memory_space<semaphore_mem>>)
        %dma_wait3A_38 = arith.constant 9984 : i32
        %dma_wait3A_39 = arith.constant 0 : i32
        %dma_wait3A_40 = tpu.memref_slice %arg6[%arg0, %dma_wait3A_38, %dma_wait3A_39] : memref<2x10000x128xf32, #tpu.memory_space<hbm>> -> memref<1x16x128xf32, #tpu.memory_space<hbm>>
        %dma_wait3A_41 = tpu.memref_squeeze %dma_wait3A_40 : memref<1x16x128xf32, #tpu.memory_space<hbm>> -> memref<16x128xf32, #tpu.memory_space<hbm>>
        %dma_wait3A_42 = arith.constant 9984 : i32
        %dma_wait3A_43 = arith.constant 0 : i32
        %dma_wait3A_44 = tpu.memref_slice %arg16[%dma_wait3A_42, %dma_wait3A_43] : memref<10000x128xf32, #tpu.memory_space<vmem_shared>> -> memref<16x128xf32, #tpu.memory_space<vmem_shared>>
        tpu.wait_dma2 semaphore(%run_scoped3A : memref<!tpu.dma_semaphore, #tpu.memory_space<semaphore_mem>>) src(%dma_wait3A_44 : memref<16x128xf32, #tpu.memory_space<vmem_shared>>) dst(%dma_wait3A_41 : memref<16x128xf32, #tpu.memory_space<hbm>>)
        tpu.yield
      }) : () -> ()
    } else {
    }
    return
  }
}

module attributes {stable_mosaic.version = 14 : i64} {
  func.func @_mm_body(%arg0: i32, %arg1: memref<1000x128xf32, #tpu.memory_space<vmem>>, %arg2: memref<128x128xf32, #tpu.memory_space<vmem>>, %arg3: memref<1x1x1000xf32, #tpu.memory_space<vmem>>, %arg4: memref<1x1x1000xf32, #tpu.memory_space<vmem>>, %arg5: memref<1000x128xf32, #tpu.memory_space<vmem>>) attributes {dimension_semantics = [#tpu.dimension_semantics<arbitrary>], iteration_bounds = array<i64: 10>, scalar_prefetch = 0 : i64, scratch_operands = 0 : i64, tpu.core_type = #tpu.core_type<tc>, window_params = [{transform_indices = @transform_0, window_bounds = array<i64: 1000, 128>}, {pipeline_mode = #tpu.pipeline_mode<synchronous>, transform_indices = @transform_1, window_bounds = array<i64: 128, 128>}, {transform_indices = @transform_2, window_bounds = array<i64: 1, 1, 1000>}, {transform_indices = @transform_3, window_bounds = array<i64: 1, 1, 1000>}, {transform_indices = @transform_4, window_bounds = array<i64: 1000, 128>}]} {
    %get3A = arith.constant 0 : index
    %get3A_0 = arith.constant 0 : index
    %get3A_1 = arith.constant 0 : index
    %get3A_2 = vector.load %arg3[%get3A, %get3A_0, %get3A_1] : memref<1x1x1000xf32, #tpu.memory_space<vmem>>, vector<1x1x1000xf32>
    %get3A_3 = vector.shape_cast %get3A_2 : vector<1x1x1000xf32> to vector<1000xf32>
    %get3A_4 = arith.constant 0 : index
    %get3A_5 = arith.constant 0 : index
    %get3A_6 = arith.constant 0 : index
    %get3A_7 = vector.load %arg4[%get3A_4, %get3A_5, %get3A_6] : memref<1x1x1000xf32, #tpu.memory_space<vmem>>, vector<1x1x1000xf32>
    %get3A_8 = vector.shape_cast %get3A_7 : vector<1x1x1000xf32> to vector<1000xf32>
    %add3A = arith.addf %get3A_3, %get3A_8 : vector<1000xf32>
    %add3A_9 = arith.constant 1.000000e+00 : f32
    %add3A_10 = vector.broadcast %add3A_9 : f32 to vector<1000xf32>
    %add3A_11 = arith.addf %add3A, %add3A_10 : vector<1000xf32>
    %rsqrt3A = math.rsqrt %add3A_11 : vector<1000xf32>
    %get3A_12 = arith.constant 0 : index
    %get3A_13 = arith.constant 0 : index
    %get3A_14 = vector.load %arg1[%get3A_12, %get3A_13] : memref<1000x128xf32, #tpu.memory_space<vmem>>, vector<1000x128xf32>
    %get3A_15 = arith.constant 0 : index
    %get3A_16 = arith.constant 0 : index
    %get3A_17 = vector.load %arg2[%get3A_15, %get3A_16] : memref<128x128xf32, #tpu.memory_space<vmem>>, vector<128x128xf32>
    %dot_general3A = arith.constant dense<0.000000e+00> : vector<1000x128xf32>
    %dot_general3A_18 = tpu.matmul %get3A_14, %get3A_17, %dot_general3A {dimension_numbers = #tpu.dot_dimension_numbers<[1], [0], [0], [1], [0, 0, 1, 1], [], []>, transpose_lhs_hint = false} : vector<1000x128xf32>, vector<128x128xf32>, vector<1000x128xf32> -> vector<1000x128xf32>
    %broadcast_in_dim3A = vector.shape_cast %rsqrt3A : vector<1000xf32> to vector<1000x1xf32>
    %mul3A = vector.broadcast %broadcast_in_dim3A : vector<1000x1xf32> to vector<1000x128xf32>
    %mul3A_19 = arith.mulf %dot_general3A_18, %mul3A : vector<1000x128xf32>
    %swap3A = arith.constant 0 : index
    %swap3A_20 = arith.constant 0 : index
    %swap3A_21 = vector.load %arg5[%swap3A, %swap3A_20] : memref<1000x128xf32, #tpu.memory_space<vmem>>, vector<1000x128xf32>
    tpu.vector_store %arg5[%swap3A, %swap3A_20], %mul3A_19 {strides = array<i32>} : memref<1000x128xf32, #tpu.memory_space<vmem>>, vector<1000x128xf32>,
    return
  }
  func.func @transform_0(%arg0: i32) -> (i32, i32) {
    %c0_i32 = arith.constant 0 : i32
    %c0_i32_0 = arith.constant 0 : i32
    return %arg0, %c0_i32 : i32, i32
  }
  func.func @transform_1(%arg0: i32) -> (i32, i32) {
    %c0_i32 = arith.constant 0 : i32
    %c0_i32_0 = arith.constant 0 : i32
    %c0_i32_1 = arith.constant 0 : i32
    return %c0_i32, %c0_i32_0 : i32, i32
  }
  func.func @transform_2(%arg0: i32) -> (i32, i32, i32) {
    %c0_i32 = arith.constant 0 : i32
    %c0_i32_0 = arith.constant 0 : i32
    %c0_i32_1 = arith.constant 0 : i32
    return %arg0, %c0_i32, %c0_i32_0 : i32, i32, i32
  }
  func.func @transform_3(%arg0: i32) -> (i32, i32, i32) {
    %c0_i32 = arith.constant 0 : i32
    %c0_i32_0 = arith.constant 0 : i32
    %c0_i32_1 = arith.constant 0 : i32
    return %arg0, %c0_i32, %c0_i32_0 : i32, i32, i32
  }
  func.func @transform_4(%arg0: i32) -> (i32, i32) {
    %c0_i32 = arith.constant 0 : i32
    %c0_i32_0 = arith.constant 0 : i32
    return %arg0, %c0_i32 : i32, i32
  }
}

module attributes {stable_mosaic.version = 14 : i64} {
  func.func @_fin_body(%arg0: i32, %arg1: memref<2x1000x128xf32, #tpu.memory_space<vmem>>, %arg2: memref<1000x128xf32, #tpu.memory_space<vmem>>, %arg3: memref<1x1x1000xf32, #tpu.memory_space<vmem>>, %arg4: memref<1x1x1000xf32, #tpu.memory_space<vmem>>, %arg5: memref<1x128xf32, #tpu.memory_space<vmem>>, %arg6: memref<1000x128xf32, #tpu.memory_space<vmem>>) attributes {dimension_semantics = [#tpu.dimension_semantics<arbitrary>], iteration_bounds = array<i64: 10>, scalar_prefetch = 0 : i64, scratch_operands = 0 : i64, tpu.core_type = #tpu.core_type<tc>, window_params = [{transform_indices = @transform_0, window_bounds = array<i64: 2, 1000, 128>}, {transform_indices = @transform_1, window_bounds = array<i64: 1000, 128>}, {transform_indices = @transform_2, window_bounds = array<i64: 1, 1, 1000>}, {transform_indices = @transform_3, window_bounds = array<i64: 1, 1, 1000>}, {pipeline_mode = #tpu.pipeline_mode<synchronous>, transform_indices = @transform_4, window_bounds = array<i64: 1, 128>}, {transform_indices = @transform_5, window_bounds = array<i64: 1000, 128>}]} {
    %get3A = arith.constant 0 : index
    %get3A_0 = arith.constant 0 : index
    %get3A_1 = arith.constant 0 : index
    %get3A_2 = vector.load %arg3[%get3A, %get3A_0, %get3A_1] : memref<1x1x1000xf32, #tpu.memory_space<vmem>>, vector<1x1x1000xf32>
    %get3A_3 = vector.shape_cast %get3A_2 : vector<1x1x1000xf32> to vector<1000xf32>
    %get3A_4 = arith.constant 0 : index
    %get3A_5 = arith.constant 0 : index
    %get3A_6 = arith.constant 0 : index
    %get3A_7 = vector.load %arg4[%get3A_4, %get3A_5, %get3A_6] : memref<1x1x1000xf32, #tpu.memory_space<vmem>>, vector<1x1x1000xf32>
    %get3A_8 = vector.shape_cast %get3A_7 : vector<1x1x1000xf32> to vector<1000xf32>
    %add3A = arith.addf %get3A_3, %get3A_8 : vector<1000xf32>
    %add3A_9 = arith.constant 1.000000e+00 : f32
    %add3A_10 = vector.broadcast %add3A_9 : f32 to vector<1000xf32>
    %add3A_11 = arith.addf %add3A, %add3A_10 : vector<1000xf32>
    %rsqrt3A = math.rsqrt %add3A_11 : vector<1000xf32>
    %get3A_12 = arith.constant 0 : index
    %get3A_13 = arith.constant 0 : index
    %get3A_14 = arith.constant 0 : index
    %get3A_15 = vector.load %arg1[%get3A_12, %get3A_13, %get3A_14] : memref<2x1000x128xf32, #tpu.memory_space<vmem>>, vector<1x1000x128xf32>
    %get3A_16 = vector.shape_cast %get3A_15 : vector<1x1000x128xf32> to vector<1000x128xf32>
    %get3A_17 = arith.constant 1 : index
    %get3A_18 = arith.constant 0 : index
    %get3A_19 = arith.constant 0 : index
    %get3A_20 = vector.load %arg1[%get3A_17, %get3A_18, %get3A_19] : memref<2x1000x128xf32, #tpu.memory_space<vmem>>, vector<1x1000x128xf32>
    %get3A_21 = vector.shape_cast %get3A_20 : vector<1x1000x128xf32> to vector<1000x128xf32>
    %add3A_22 = arith.addf %get3A_16, %get3A_21 : vector<1000x128xf32>
    %get3A_23 = arith.constant 0 : index
    %get3A_24 = arith.constant 0 : index
    %get3A_25 = vector.load %arg2[%get3A_23, %get3A_24] : memref<1000x128xf32, #tpu.memory_space<vmem>>, vector<1000x128xf32>
    %add3A_26 = arith.addf %add3A_22, %get3A_25 : vector<1000x128xf32>
    %broadcast_in_dim3A = vector.shape_cast %rsqrt3A : vector<1000xf32> to vector<1000x1xf32>
    %mul3A = vector.broadcast %broadcast_in_dim3A : vector<1000x1xf32> to vector<1000x128xf32>
    %mul3A_27 = arith.mulf %add3A_26, %mul3A : vector<1000x128xf32>
    %get3A_28 = arith.constant 0 : index
    %get3A_29 = arith.constant 0 : index
    %get3A_30 = vector.load %arg5[%get3A_28, %get3A_29] : memref<1x128xf32, #tpu.memory_space<vmem>>, vector<1x128xf32>
    %add3A_31 = vector.broadcast %get3A_30 : vector<1x128xf32> to vector<1000x128xf32>
    %add3A_32 = arith.addf %mul3A_27, %add3A_31 : vector<1000x128xf32>
    %ge3A = arith.constant 0.000000e+00 : f32
    %ge3A_33 = vector.broadcast %ge3A : f32 to vector<1000x128xf32>
    %ge3A_34 = arith.cmpf oge, %add3A_32, %ge3A_33 : vector<1000x128xf32>
    %mul3A_35 = arith.constant 2.000000e-01 : f32
    %mul3A_36 = vector.broadcast %mul3A_35 : f32 to vector<1000x128xf32>
    %mul3A_37 = arith.mulf %mul3A_36, %add3A_32 : vector<1000x128xf32>
    %select_n3A = arith.select %ge3A_34, %add3A_32, %mul3A_37 : vector<1000x128xi1>, vector<1000x128xf32>
    %swap3A = arith.constant 0 : index
    %swap3A_38 = arith.constant 0 : index
    %swap3A_39 = vector.load %arg6[%swap3A, %swap3A_38] : memref<1000x128xf32, #tpu.memory_space<vmem>>, vector<1000x128xf32>
    tpu.vector_store %arg6[%swap3A, %swap3A_38], %select_n3A {strides = array<i32>} : memref<1000x128xf32, #tpu.memory_space<vmem>>, vector<1000x128xf32>,
    return
  }
  func.func @transform_0(%arg0: i32) -> (i32, i32, i32) {
    %c0_i32 = arith.constant 0 : i32
    %c0_i32_0 = arith.constant 0 : i32
    %c0_i32_1 = arith.constant 0 : i32
    return %c0_i32, %arg0, %c0_i32_0 : i32, i32, i32
  }
  func.func @transform_1(%arg0: i32) -> (i32, i32) {
    %c0_i32 = arith.constant 0 : i32
    %c0_i32_0 = arith.constant 0 : i32
    return %arg0, %c0_i32 : i32, i32
  }
  func.func @transform_2(%arg0: i32) -> (i32, i32, i32) {
    %c0_i32 = arith.constant 0 : i32
    %c0_i32_0 = arith.constant 0 : i32
    %c0_i32_1 = arith.constant 0 : i32
    return %arg0, %c0_i32, %c0_i32_0 : i32, i32, i32
  }
  func.func @transform_3(%arg0: i32) -> (i32, i32, i32) {
    %c0_i32 = arith.constant 0 : i32
    %c0_i32_0 = arith.constant 0 : i32
    %c0_i32_1 = arith.constant 0 : i32
    return %arg0, %c0_i32, %c0_i32_0 : i32, i32, i32
  }
  func.func @transform_4(%arg0: i32) -> (i32, i32) {
    %c0_i32 = arith.constant 0 : i32
    %c0_i32_0 = arith.constant 0 : i32
    %c0_i32_1 = arith.constant 0 : i32
    return %c0_i32, %c0_i32_0 : i32, i32
  }
  func.func @transform_5(%arg0: i32) -> (i32, i32) {
    %c0_i32 = arith.constant 0 : i32
    %c0_i32_0 = arith.constant 0 : i32
    return %arg0, %c0_i32 : i32, i32
  }
}

</mosaic_0001>

<sc_bundles>
// kernel: kernel.6.cloned.1.call-start
scs
__scs_entry_jumppad:
0x0: {  	(pc) =	sbr.rel $0x88, $3  }
0x1: {  	(tag) =	ssettag $0x0;
	lr =	simm.s32 $0x1  }
0x2: {  	[smem:$0x3F9D] =	sst lr;
	_ =	strace $0xD0000000  }
0x3: {  	_ = 	snop  }
0x4: {  	_ = 	snop  }
0x5: {  	_ = 	snop  }
0x6: {  	_ = 	snop  }
0x7: {  	_ = 	snop  }
__scs_overlays_trampoline_lowered:
0x8: {  	[smem:$0x3FAC] =	sst s0  }
0x9: {  	[smem:$0x3FAD] =	sst s1  }
0xa: {  	[smem:$0x3FAE] =	sst s2  }
0xb: {  	[smem:$0x3FAF] =	sst s3  }
0xc: {  	[smem:$0x3FB0] =	sst s4  }
0xd: {  	[smem:$0x3FB1] =	sst s5  }
0xe: {  	[smem:$0x3FB2] =	sst s6  }
0xf: {  	[smem:$0x3FB3] =	sst s7  }
0x10: {  	[smem:$0x3FB4] =	sst s8  }
0x11: {  	[smem:$0x3FB5] =	sst s9;
	s0 =	simm.s32 @!p0 $0x0  }
0x12: {  	s1 =	sld [smem:$0x3F9B];
	s0 =	simm.s32 @p0 $0x1  }
0x13: {  	[smem:$0x3FB6] =	sst s0;
	s0 =	simm.s32 @!p1 $0x0  }
0x14: {  	s2 =	sld [smem:$0x3F9A];
	s0 =	simm.s32 @p1 $0x1  }
0x15: {  	[smem:$0x3FB7] =	sst s0;
	s0 =	simm.s32 @!p2 $0x0  }
0x16: {  	s3 =	sld [smem:$0x3FDB];
	s0 =	simm.s32 @p2 $0x1  }
0x17: {  	s4 =	simm.s32 $0x1BF5;
	[smem:$0x3FB9] =	sst s0  }
0x18: {  	s0 =	sld [smem:$0x3F9C];
	_ =	swait.ge [sflag:s4], $0x0  }
0x19: {  	s7 =	sld [smem:$0x3F9D]  }
0x1a: {  	s8 =	sadd.s32 $0xFFFFE003, lr  }
0x1b: {  	s9 =	sadd.s32 $0xFFFFFEF7, lr;
	s5 =	simm.s32 $0xFFFFFFFF;
	p2 =	slt.u32 s8, $0xFFFFF086  }
0x1c: {  	p1 =	slt.u32 s9, $0xF7A;
	s5 =	simm.s32 @!p2 $0x0  }
0x1d: {  	s5 =	simm.s32 @p1 $0x1;
	p0 =	seq.s32 s7, s2  }
0x1e: {  	s7 =	smul.u32 @!p0 $0xF7A, s2;
	p2 =	seq.s32 @!p0 s5, $0x0  }
0x1f: {  	s9 =	smul.u32 $0xF7A, s1;
	s8 =	simm.s32 @!p0 $0x1BF5;
	p2 =	por !p2, p0  }
0x20: {  	[sflag:s8] =	ssyncset.s32 @!p0 $0xFFFFF086;
	s6 =	sadd.s32 @!p0 s3, s7;
	s7 =	simm.s32 @!p0 $0x108  }
0x21: {  	s3 =	sadd.s32 s3, s9;
	s6 =	sadd.s32 @!p0 $0x88, s6;
	s7 =	simm.s32 @p2 $0x1082  }
0x22: {  	[simem:s7], [sflag:s8] =	dma.local @!p0 [hbm:s6], $0xF7A  }
0x23: {  	s9 =	sor.u32 $0xD0000000, s2;
	s6 =	simm.s32 $0x108;
	_ =	swait.ge @!p0 [sflag:s8], $0x0  }
0x24: {  	s3 =	sadd.s32 $0x88, s3;
	s6 =	simm.s32 @!p1 $0x1082;
	[sflag:s4] =	ssyncset.s32 $0xFFFFF086  }
0x25: {  	[simem:s6], [sflag:s4] =	dma.local [hbm:s3], $0xF7A  }
0x26: {  	[smem:$0x3F9D] =	sst s1;
	(tag) =	ssettag s2;
	_ =	strace s9  }
0x27: {  	s1 =	sld [smem:$0x3FAD]  }
0x28: {  	s2 =	sld [smem:$0x3FAE]  }
0x29: {  	s4 =	sld [smem:$0x3FB0]  }
0x2a: {  	p0 =	seq.s32 s5, $0x0;
	s5 =	sld [smem:$0x3FB1]  }
0x2b: {  	s6 =	sld [smem:$0x3FB2]  }
0x2c: {  	s7 =	sld [smem:$0x3FB3]  }
0x2d: {  	s3 =	simm.s32 $0x108;
	s8 =	sld [smem:$0x3FB4]  }
0x2e: {  	s3 =	simm.s32 @!p0 $0x1082;
	s9 =	sld [smem:$0x3FB5]  }
0x2f: {  	lr =	sadd.s32 s0, s3;
	s0 =	sld [smem:$0x3FAC]  }
0x30: {  	s3 =	sld [smem:$0x3FAF]  }
0x31: {  	[smem:$0x3FB8] =	sst s10  }
0x32: {  	s10 =	sld [smem:$0x3FB6];
	_ =	sdelay $0x3  }
0x33: {  	p0 =	seq.s32 s10, $0x1;
	s10 =	sld [smem:$0x3FB8];
	_ =	sdelay $0x3  }
0x34: {  	[smem:$0x3FB8] =	sst s10  }
0x35: {  	s10 =	sld [smem:$0x3FB7];
	_ =	sdelay $0x3  }
0x36: {  	p1 =	seq.s32 s10, $0x1;
	s10 =	sld [smem:$0x3FB8];
	_ =	sdelay $0x3  }
0x37: {  	[smem:$0x3FB8] =	sst s10  }
0x38: {  	s10 =	sld [smem:$0x3FB9]  }
0x39: {  	_ = 	snop;
	(pc) =	sbr.ind lr, $3  }
0x3a: {  	_ = 	snop  }
0x3b: {  	_ = 	snop  }
0x3c: {  	p2 =	seq.s32 s10, $0x1;
	s10 =	sld [smem:$0x3FB8]  }
0x3d: {  	_ =	shalt  }
0x3e: {  	_ =	shalt  }
0x3f: {  	_ =	shalt  }
0x40: {  	_ =	shalt  }
0x41: {  	_ =	shalt  }
0x42: {  	_ =	shalt  }
0x43: {  	_ =	shalt  }
0x44: {  	_ =	shalt  }
0x45: {  	_ =	shalt  }
0x46: {  	_ =	shalt  }
0x47: {  	_ =	shalt  }
0x48: {  	_ =	shalt  }
0x49: {  	_ =	shalt  }
0x4a: {  	_ =	shalt  }
0x4b: {  	_ =	shalt  }
0x4c: {  	_ =	shalt  }
0x4d: {  	_ =	shalt  }
0x4e: {  	_ =	shalt  }
0x4f: {  	_ =	shalt  }
0x50: {  	_ =	shalt  }
0x51: {  	_ =	shalt  }
0x52: {  	_ =	shalt  }
0x53: {  	_ =	shalt  }
0x54: {  	_ =	shalt  }
0x55: {  	_ =	shalt  }
0x56: {  	_ =	shalt  }
0x57: {  	_ =	shalt  }
0x58: {  	_ =	shalt  }
0x59: {  	_ =	shalt  }
0x5a: {  	_ =	shalt  }
0x5b: {  	_ =	shalt  }
0x5c: {  	_ =	shalt  }
0x5d: {  	_ =	shalt  }
0x5e: {  	_ =	shalt  }
0x5f: {  	_ =	shalt  }
0x60: {  	_ =	shalt  }
0x61: {  	_ =	shalt  }
0x62: {  	_ =	shalt  }
0x63: {  	_ =	shalt  }
0x64: {  	_ =	shalt  }
0x65: {  	_ =	shalt  }
0x66: {  	_ =	shalt  }
0x67: {  	_ =	shalt  }
0x68: {  	_ =	shalt  }
0x69: {  	_ =	shalt  }
0x6a: {  	_ =	shalt  }
0x6b: {  	_ =	shalt  }
0x6c: {  	_ =	shalt  }
0x6d: {  	_ =	shalt  }
0x6e: {  	_ =	shalt  }
0x6f: {  	_ =	shalt  }
0x70: {  	_ =	shalt  }
0x71: {  	_ =	shalt  }
0x72: {  	_ =	shalt  }
0x73: {  	_ =	shalt  }
0x74: {  	_ =	shalt  }
0x75: {  	_ =	shalt  }
0x76: {  	_ =	shalt  }
0x77: {  	_ =	shalt  }
0x78: {  	_ =	shalt  }
0x79: {  	_ =	shalt  }
0x7a: {  	_ =	shalt  }
0x7b: {  	_ =	shalt  }
0x7c: {  	_ =	shalt  }
0x7d: {  	_ =	shalt  }
0x7e: {  	_ =	shalt  }
0x7f: {  	_ =	shalt  }
0x80: {  	_ =	shalt  }
0x81: {  	_ =	shalt  }
0x82: {  	_ =	shalt  }
0x83: {  	_ =	shalt  }
0x84: {  	_ =	shalt  }
0x85: {  	_ =	shalt  }
0x86: {  	_ =	shalt  }
0x87: {  	_ =	shalt  }
.Lfunc_end0:
.L_simem_size_0:
called_computation_lowered:
.L_overlay_start_0:
0x88: {  	s2 =	sld [smem:$0x3FD9]  }
0x89: {  	s3 =	sld [smem:$0x3FFE];
	_ =	sdelay $0x1  }
0x8a: {  	s1 =	srdreg.scid  }
0x8b: {  	s0 =	sand.u32 $0x1, s1  }
0x8c: {  	s17 =	sshll.u32 s0, $0xA;
	s2 =	sadd.s32 s3, s2  }
0x8d: {  	s2 =	sadd.s32 s2, s17  }
0x8e: {  	[smem:$0x3FC4] =	sst s2  }
0x8f: {  	_ = 	snop  }
0x90: {  	s2 =	sld [smem:$0x3FD0];
	(tm) =	ssettm $0x1  }
0x91: {  	s18 =	sld [smem:$0x3FFB];
	_ =	sdelay $0x3  }
0x92: {  	_ =	strace s18  }
0x93: {  	s3 =	sld [smem:$0x3FFC];
	_ =	sdelay $0x3  }
0x94: {  	_ =	strace s3  }
0x95: {  	s3 =	sld [smem:$0x3FFD];
	_ =	sdelay $0x3  }
0x96: {  	_ =	strace s3  }
0x97: {  	_ =	strace $0x8FFFFFFF  }
0x98: {  	s19 =	sld [smem:$0x3FDB];
	_ =	sdelay $0x1  }
0x99: {  	s4 =	simm.s32 $_scs_section_size  }
0x9a: {  	s5 =	simm.s32 $_size__tile_overlayer_lowered;
	s6 =	simm.s32 $_tile_overlayer_lowered  }
0x9b: {  	s22 =	simm.s32 $0x1BFF;
	s21 =	sshll.u32 s6, $0x1;
	s3 =	sadd.s32 s4, s19  }
0x9c: {  	s7 =	simm.s32 $0x0;
	s20 =	sshll.u32 s5, $0x1;
	s5 =	sadd.s32 s21, s3  }
0x9d: {  	[timem:s7], [sflag:s22] =	dma.local [hbm:s5], s20  }
0x9e: {  	_ =	swait.ge [sflag:s22], s20  }
0x9f: {  	s4 =	ssub.s32 $0x0, s20;
	[sflag:s22] =	ssyncset.done $0x0  }
0xa0: {  	[sflag:s22] =	ssyncadd.s32 s4;
	_ =	sdelay $0x1  }
0xa1: {  	s23 =	simm.s32 $0x1B8B  }
0xa2: {  	_ =	swait.ge [sflag:s23], $0x1  }
0xa3: {  	[sflag:s23] =	ssyncset.done $0x0  }
0xa4: {  	s25 =	simm.s32 $0x1B8E;
	s24 =	sld [smem:$0x3FFE];
	[sflag:s23] =	ssyncadd.s32 $0xFFFFFFFF  }
0xa5: {  	s26 =	simm.s32 $execute0_lowered;
	[smem:$0x3FD2] =	sst s25  }
0xa6: {  	s5 =	sshll.u32 s26, $0x1;
	_ =	strace $0x80000046;
	[dreg:$0x1] =	wrdreg $0xFFFFFFFF  }
0xa7: {  	s28 =	simm.s32 $_size_execute0_lowered;
	s3 =	sadd.s32 s3, s5;
	[dreg:$0x0] =	wrdreg $0x0  }
0xa8: {  	s5 =	sshll.u32 s28, $0x1;
	[dreg:$0x2] =	wrdreg s3  }
0xa9: {  	[dreg:$0x3] =	wrdreg s5  }
0xaa: {  	[dreg:$0x4] =	wrdreg $0xC0  }
0xab: {  	_ =	task [dreg:s7], $0x5FFFF  }
0xac: {  	[dreg:$0x1] =	wrdreg $0xFFFFFFFF  }
0xad: {  	[dreg:$0x0] =	wrdreg $0x60  }
0xae: {  	[dreg:$0x2] =	wrdreg s24  }
0xaf: {  	[dreg:$0x3] =	wrdreg s2  }
0xb0: {  	[dreg:$0x4] =	wrdreg $0x4800  }
0xb1: {  	[dreg:$0x5] =	wrdreg $0x9  }
0xb2: {  	_ =	task.clear_ibuf [dreg:s7], $0x6FFFF;
	_ =	strace $0x90000046  }
0xb3: {  	s29 =	simm.s32 $0x9;
	_ =	strace $0x80000048  }
0xb4: {  	_ =	swait.ge [sflag:s29], $0x1  }
0xb5: {  	[sflag:s29] =	ssyncadd.s32 $0xFFFFFFFF  }
0xb6: {  	_ =	strace $0x90000048  }
0xb7: {  	_ =	sfence  }
0xb8: {  	s30 =	sld [smem:$0x0];
	_ =	sdelay $0x2  }
0xb9: {  	s31 =	sshll.u32 s1, $0xD;
	s1 =	sshrl.u32 s1, $0x2  }
0xba: {  	s3 =	sand.u32 $0x4000, s31;
	s1 =	sadd.s32 s1, s30  }
0xbb: {  	s0 =	sor.u32 s3, s0;
	s1 =	sshll.u32 s1, $0x11  }
0xbc: {  	s0 =	sor.u32 s1, s0  }
0xbd: {  	s0 =	sadd.s32 $0x8F2B, s0  }
0xbe: {  	[sflag:s0] =	ssyncadd.remote.s32 $0x1  }
0xbf: {  	_ =	sfence.sel $0xFFFF  }
0xc0: {  	[dreg:$0x0] =	wrdreg $0xFFFFFFFF;
	(pc) =	sbr.abs _section_cstart, $3  }
0xc1: {  	[dreg:$0x1] =	wrdreg $0xFFFFFFFF  }
0xc2: {  	_ =	task.clear_ibuf [dreg:s7], $0x2FFFF;
	_ =	strace $0x9FFFFFFF  }
0xc3: {  	(tm) =	ssettm $0x7FFFFFFF  }
tec
execute0_lowered:
.L_overlay_start_1:
0x0: {  	(tag) =	ssettag $0x1  }
0x1: {  	s3 =	rddreg [dreg:$0x0]  }
0x2: {  	s7 =	rddreg [dreg:$0x1]  }
0x3: {  	s1 =	rddreg [dreg:$0x2]  }
0x4: {  	s0 =	rddreg [dreg:$0x3]  }
0x5: {  	s2 =	simm.s32 $0x0;
	s4 =	srdreg.scid;
	s10 =	stileid.u32  }
0x6: {  	s14 =	simm.s32 $0x10;
	s15 =	simm.s32 $0x180;
	s16 =	simm.s32 $0x0  }
0x7: {  	[smem:$0x7FF] =	sst s2;
	s4 =	sand.u32 $0x1, s4;
	s8 =	smul.u32 $0x270, s10  }
0x8: {  	s5 =	sshll.u32 s10, $0x1;
	s11 =	sadd.s32 $0x1400, s3;
	s30 =	smul.u32 $0x4E20, s10  }
0x9: {  	p0 =	sne.s32 s10, $0x0;
	s10 =	simm.s32 $0x200;
	s6 =	ssub.s32 $0x2, s4  }
0xa: {  	s5 =	sor.u32 s4, s5;
	_ =	strace $0x80000047;
	s12 =	smul.u32 $0x2710, s4  }
0xb: {  	s4 =	sadd.s32 $0x2700, s1;
	s9 =	sshrl.u32 s6, $0x1;
	s5 =	smul.u32 $0x2710, s5  }
0xc: {  	s3 =	sadd.s32 s8, s1;
	s9 =	ssub.s32 s6, s9;
	s29 =	sadd.s32 s8, s12  }
0xd: {  	s13 =	sshrl.u32 s12, $0x3;
	s12 =	sadd.s32 s12, s30;
	s5 =	sshrl.u32 s5, $0x3  }
0xe: {  	s6 =	sshrl.u32 s29, $0x3;
	s8 =	smax.u32 s9, $0x1;
	s31 =	sshrl.u32 s12, $0x3  }
0xf: {  	s12 =	simm.s32 $0x80;
	s5 =	sadd.s32 s11, s5;
	s6 =	sadd.s32 s7, s6  }
0x10: {  	s7 =	sadd.s32 s7, s13;
	s9 =	sadd.s32 s31, s11;
	s11 =	simm.s32 $0x1  }
0x11: {  	v0 =	vimm.f32 $0.0e+00;
	v1 =	vimm.f32 $1.000000000e+00;
	s13 =	simm.s32 $0x100;
	s5 =	sadd.s32 $0x4E0, s5;
	s7 =	sadd.s32 $0x4E0, s7  }
.LBB2_1:
0x12: {  	[tilespmem:$0x200] =	vst v0  }
0x13: {  	[tilespmem:$0x210] =	vst v0  }
0x14: {  	[tilespmem:$0x220] =	vst v0  }
0x15: {  	[tilespmem:$0x230] =	vst v0  }
0x16: {  	[tilespmem:$0x240] =	vst v0  }
0x17: {  	[tilespmem:$0x250] =	vst v0  }
0x18: {  	[tilespmem:$0x260] =	vst v0  }
0x19: {  	[tilespmem:$0x270] =	vst v0  }
0x1a: {  	[tilespmem:$0x280] =	vst v0  }
0x1b: {  	[tilespmem:$0x290] =	vst v0  }
0x1c: {  	[tilespmem:$0x2A0] =	vst v0  }
0x1d: {  	[tilespmem:$0x2B0] =	vst v0  }
0x1e: {  	[tilespmem:$0x2C0] =	vst v0  }
0x1f: {  	[tilespmem:$0x2D0] =	vst v0  }
0x20: {  	[tilespmem:$0x2E0] =	vst v0  }
0x21: {  	[tilespmem:$0x2F0] =	vst v0  }
0x22: {  	[tilespmem:$0x300] =	vst v0  }
0x23: {  	[tilespmem:$0x310] =	vst v0  }
0x24: {  	[tilespmem:$0x320] =	vst v0  }
0x25: {  	[tilespmem:$0x330] =	vst v0  }
0x26: {  	[tilespmem:$0x340] =	vst v0  }
0x27: {  	[tilespmem:$0x350] =	vst v0  }
0x28: {  	[tilespmem:$0x360] =	vst v0  }
0x29: {  	[tilespmem:$0x370] =	vst v0  }
0x2a: {  	[tilespmem:$0x380] =	vst v0  }
0x2b: {  	[tilespmem:$0x390] =	vst v0  }
0x2c: {  	[tilespmem:$0x3A0] =	vst v0  }
0x2d: {  	[tilespmem:$0x3B0] =	vst v0  }
0x2e: {  	[tilespmem:$0x3C0] =	vst v0  }
0x2f: {  	[tilespmem:$0x3D0] =	vst v0  }
0x30: {  	[tilespmem:$0x3E0] =	vst v0  }
0x31: {  	[tilespmem:$0x3F0] =	vst v0  }
0x32: {  	[tilespmem:$0x400] =	vst v0  }
0x33: {  	[tilespmem:$0x410] =	vst v0  }
0x34: {  	[tilespmem:$0x420] =	vst v0  }
0x35: {  	[tilespmem:$0x430] =	vst v0  }
0x36: {  	[tilespmem:$0x440] =	vst v0  }
0x37: {  	[tilespmem:$0x450] =	vst v0  }
0x38: {  	[tilespmem:$0x460] =	vst v0  }
0x39: {  	[tilespmem:$0x80] =	vst v1  }
0x3a: {  	[tilespmem:$0x90] =	vst v1  }
0x3b: {  	[tilespmem:$0xA0] =	vst v1  }
0x3c: {  	[tilespmem:$0xB0] =	vst v1  }
0x3d: {  	[tilespmem:$0xC0] =	vst v1  }
0x3e: {  	[tilespmem:$0xD0] =	vst v1  }
0x3f: {  	[tilespmem:$0xE0] =	vst v1  }
0x40: {  	[tilespmem:$0xF0] =	vst v1  }
0x41: {  	[tilespmem:$0x180] =	vst v1  }
0x42: {  	[spmem:s3] =	stream.linear.scatter [tilespmem:s10], [sflag:$0x1], $0x270, $0x38;
	[tilespmem:$0x6F8] =	vst v63  }
0x43: {  	_ =	swait.ge [sflag:s11], $0x270  }
0x44: {  	[sflag:s11] =	ssyncset.done $0x0  }
0x45: {  	s17 =	simm.s32 @!p0 $0x200;
	[sflag:s11] =	ssyncadd.s32 $0xFFFFFD90  }
0x46: {  	[spmem:s4] =	stream.linear.scatter @!p0 [tilespmem:s17], [sflag:$0x1], $0x10, $0x38;
	[tilespmem:$0x6F8] =	vst v63  }
0x47: {  	s17 =	simm.s32 @!p0 $0x1  }
0x48: {  	_ =	swait.ge @!p0 [sflag:s17], $0x10  }
0x49: {  	[sflag:s17] =	ssyncset.done @!p0 $0x0  }
0x4a: {  	[sflag:s17] =	ssyncadd.s32 @!p0 $0xFFFFFFF0  }
0x4b: {  	s31 =	sadd.s32 $0x0, s9;
	[bflag:$0x0] =	sbarrier.arrive $0xFFFF  }
0x4c: {  	[tilespmem:s2], [sflag:$0x1] =	stream.linear.gather [hbm4b:s31+s2], $0x80, $0x38;
	[tilespmem:$0x6F8] =	vst v63  }
0x4d: {  	_ =	swait.ge [sflag:s11], $0x80  }
0x4e: {  	[sflag:s11] =	ssyncset.done $0x0  }
0x4f: {  	[sflag:s11] =	ssyncadd.s32 $0xFFFFFF80  }
0x50: {  	[spmem:s1] =	stream.indirect.scatter.add.f32 [tilespmem:s12], [sflag:$0x1], $0x1, s2, s12, $0xb8;
	[tilespmem:$0x6F8] =	vst v63  }
0x51: {  	_ =	swait.ge [sflag:s11], $0x80  }
0x52: {  	s18 =	simm.s32 $0x20;
	s17 =	simm.s32 $0x10;
	[sflag:s11] =	ssyncset.done $0x0  }
.LBB2_2:
0x53: {  	s19 =	sadd.s32 s17, s9  }
0x54: {  	[sflag:s11] =	ssyncadd.s32 $0xFFFFFF80;
	s17 =	smov.u32 s18;
	s20 =	sadd.s32 $0x10, s18  }
0x55: {  	[tilespmem:s2], [sflag:$0x1] =	stream.linear.gather [hbm4b:s19+s2], $0x80, $0x38;
	[tilespmem:$0x6F8] =	vst v63  }
0x56: {  	p1 =	sne.s32 s18, $0x4D0;
	_ =	swait.ge [sflag:s11], $0x80  }
.Ltmp0:
0x57: {  	[sflag:s11] =	ssyncset.done $0x0;
	(pc) =	sbr.rel @p1 .LBB2_2-.Ltmp0, $4  }
0x58: {  	[sflag:s11] =	ssyncadd.s32 $0xFFFFFF80  }
0x59: {  	[spmem:s1] =	stream.indirect.scatter.add.f32 [tilespmem:s12], [sflag:$0x1], $0x1, s2, s12, $0xb8;
	[tilespmem:$0x6F8] =	vst v63  }
0x5a: {  	_ =	swait.ge [sflag:s11], $0x80  }
0x5b: {  	s18 =	smov.u32 s20;
	[sflag:s11] =	ssyncset.done $0x0  }
0x5c: {  	s17 =	sadd.s32 s17, s9;
	[sflag:s11] =	ssyncadd.s32 $0xFFFFFF80  }
0x5d: {  	[tilespmem:s2], [sflag:$0x1] =	stream.linear.gather [hbm4b:s17+s2], $0x80, $0x38;
	[tilespmem:$0x6F8] =	vst v63  }
0x5e: {  	_ =	swait.ge [sflag:s11], $0x80  }
0x5f: {  	[sflag:s11] =	ssyncset.done $0x0  }
0x60: {  	[sflag:s11] =	ssyncadd.s32 $0xFFFFFF80  }
0x61: {  	[spmem:s1] =	stream.indirect.scatter.add.f32 [tilespmem:s12], [sflag:$0x1], $0x1, s2, s12, $0xb8;
	[tilespmem:$0x6F8] =	vst v63  }
0x62: {  	_ =	swait.ge [sflag:s11], $0x80  }
0x63: {  	[sflag:s11] =	ssyncset.done $0x0  }
0x64: {  	[sflag:s11] =	ssyncadd.s32 $0xFFFFFF80  }
0x65: {  	[tilespmem:s13], [sflag:$0x1] =	stream.linear.gather [hbm4b:s5+s2], $0x10, $0x38;
	[tilespmem:$0x6F8] =	vst v63  }
0x66: {  	_ =	swait.ge [sflag:s11], $0x10  }
0x67: {  	[sflag:s11] =	ssyncset.done $0x0  }
0x68: {  	[sflag:s11] =	ssyncadd.s32 $0xFFFFFFF0  }
0x69: {  	[spmem:s1] =	stream.indirect.scatter.add.f32 [tilespmem:s15], [sflag:$0x1], $0x1, s13, s14, $0xb8;
	[tilespmem:$0x6F8] =	vst v63  }
0x6a: {  	_ =	swait.ge [sflag:s11], $0x10  }
0x6b: {  	[sflag:s11] =	ssyncset.done $0x0  }
0x6c: {  	[sflag:s11] =	ssyncadd.s32 $0xFFFFFFF0  }
0x6d: {  	[bflag:$0x0] =	sbarrier.arrive $0xFFFF  }
0x6e: {  	[tilespmem:s10], [sflag:$0x1] =	stream.linear.gather [spmem:s3], $0x270, $0x38;
	[tilespmem:$0x6F8] =	vst v63  }
0x6f: {  	_ =	swait.ge [sflag:s11], $0x270  }
0x70: {  	[sflag:s11] =	ssyncset.done $0x0  }
0x71: {  	[sflag:s11] =	ssyncadd.s32 $0xFFFFFD90  }
0x72: {  	[hbm4b:s6+s2] =	stream.linear.scatter [tilespmem:s10], [sflag:$0x1], $0x270, $0x38;
	[tilespmem:$0x6F8] =	vst v63  }
0x73: {  	_ =	swait.ge [sflag:s11], $0x270  }
0x74: {  	[sflag:s11] =	ssyncset.done $0x0  }
0x75: {  	s18 =	simm.s32 @!p0 $0x1;
	s17 =	simm.s32 @!p0 $0x180;
	[sflag:s11] =	ssyncadd.s32 $0xFFFFFD90  }
0x76: {  	[tilespmem:s17], [sflag:$0x1] =	stream.linear.gather @!p0 [spmem:s4], $0x10, $0x38;
	[tilespmem:$0x6F8] =	vst v63  }
0x77: {  	s16 =	sadd.s32 $0x1, s16;
	_ =	swait.ge @!p0 [sflag:s18], $0x10  }
0x78: {  	p1 =	sne.s32 s16, s8;
	[sflag:s18] =	ssyncset.done @!p0 $0x0  }
.Ltmp1:
0x79: {  	s19 =	simm.s32 @!p0 $0x0;
	[sflag:s18] =	ssyncadd.s32 @!p0 $0xFFFFFFF0;
	(pc) =	sbr.rel @p1 .LBB2_1-.Ltmp1, $4  }
0x7a: {  	[hbm4b:s7+s19] =	stream.linear.scatter @!p0 [tilespmem:s17], [sflag:$0x1], $0x10, $0x38;
	[tilespmem:$0x6F8] =	vst v63  }
0x7b: {  	_ =	swait.ge @!p0 [sflag:s18], $0x10  }
0x7c: {  	[sflag:s18] =	ssyncset.done @!p0 $0x0  }
0x7d: {  	[sflag:s18] =	ssyncadd.s32 @!p0 $0xFFFFFFF0  }
0x7e: {  	_ =	sfence.sel $0x180000  }
0x7f: {  	[bflag:$0x0] =	sbarrier.arrive $0xFFFF  }
0x80: {  	_ =	strace $0x90000047  }
0x81: {  	s0 =	sadd.s32 @!p0 $0x100000, s0;
	[bflag:$0x2] =	sbarrier.arrive $0xFFFF  }
0x82: {  	[sflag:s0] =	ssyncadd.tile.s32 @!p0 $0x1;
	_ =	shalt  }
.Lfunc_end2:
_tile_overlayer_lowered:
.L_overlay_start_2:
0x83: {  	(tag) =	ssettag $0x2  }
0x84: {  	s0 =	rddreg [dreg:$0x0];
	s2 =	stileid.u32  }
0x85: {  	s1 =	rddreg [dreg:$0x1];
	p0 =	sne.s32 s2, $0x0  }
0x86: {  	s3 =	rddreg [dreg:$0x2];
	[bflag:$0x3] =	sbarrier.arrive $0xFFFF;
	s2 =	simm.s32 @!p0 $0x1C01  }
0x87: {  	[timem:s3], [sflag:s2] =	dma.local @!p0 [hbm:s0], s1  }
0x88: {  	s0 =	simm.s32 @!p0 $0x1  }
0x89: {  	_ =	swait.ge @!p0 [sflag:s0], s1  }
0x8a: {  	s1 =	ssub.s32 @!p0 $0x0, s1;
	[sflag:s0] =	ssyncset.done @!p0 $0x0  }
0x8b: {  	[sflag:s0] =	ssyncadd.s32 @!p0 s1  }
0x8c: {  	[bflag:$0x3] =	sbarrier.arrive $0xFFFF  }
0x8d: {  	_ =	shalt  }

// kernel: kernel.9.cloned.1.call-start
scs
__scs_entry_jumppad:
0x0: {  	(pc) =	sbr.rel $0x88, $3  }
0x1: {  	(tag) =	ssettag $0x0;
	lr =	simm.s32 $0x1  }
0x2: {  	[smem:$0x3F9D] =	sst lr;
	_ =	strace $0xD0000000  }
0x3: {  	_ = 	snop  }
0x4: {  	_ = 	snop  }
0x5: {  	_ = 	snop  }
0x6: {  	_ = 	snop  }
0x7: {  	_ = 	snop  }
__scs_overlays_trampoline_lowered:
0x8: {  	[smem:$0x3FAC] =	sst s0  }
0x9: {  	[smem:$0x3FAD] =	sst s1  }
0xa: {  	[smem:$0x3FAE] =	sst s2  }
0xb: {  	[smem:$0x3FAF] =	sst s3  }
0xc: {  	[smem:$0x3FB0] =	sst s4  }
0xd: {  	[smem:$0x3FB1] =	sst s5  }
0xe: {  	[smem:$0x3FB2] =	sst s6  }
0xf: {  	[smem:$0x3FB3] =	sst s7  }
0x10: {  	[smem:$0x3FB4] =	sst s8  }
0x11: {  	[smem:$0x3FB5] =	sst s9;
	s0 =	simm.s32 @!p0 $0x0  }
0x12: {  	s1 =	sld [smem:$0x3F9B];
	s0 =	simm.s32 @p0 $0x1  }
0x13: {  	[smem:$0x3FB6] =	sst s0;
	s0 =	simm.s32 @!p1 $0x0  }
0x14: {  	s2 =	sld [smem:$0x3F9A];
	s0 =	simm.s32 @p1 $0x1  }
0x15: {  	[smem:$0x3FB7] =	sst s0;
	s0 =	simm.s32 @!p2 $0x0  }
0x16: {  	s3 =	sld [smem:$0x3FDB];
	s0 =	simm.s32 @p2 $0x1  }
0x17: {  	s4 =	simm.s32 $0x1BF5;
	[smem:$0x3FB9] =	sst s0  }
0x18: {  	s0 =	sld [smem:$0x3F9C];
	_ =	swait.ge [sflag:s4], $0x0  }
0x19: {  	s7 =	sld [smem:$0x3F9D]  }
0x1a: {  	s8 =	sadd.s32 $0xFFFFE003, lr  }
0x1b: {  	s9 =	sadd.s32 $0xFFFFFEF7, lr;
	s5 =	simm.s32 $0xFFFFFFFF;
	p2 =	slt.u32 s8, $0xFFFFF086  }
0x1c: {  	p1 =	slt.u32 s9, $0xF7A;
	s5 =	simm.s32 @!p2 $0x0  }
0x1d: {  	s5 =	simm.s32 @p1 $0x1;
	p0 =	seq.s32 s7, s2  }
0x1e: {  	s7 =	smul.u32 @!p0 $0xF7A, s2;
	p2 =	seq.s32 @!p0 s5, $0x0  }
0x1f: {  	s9 =	smul.u32 $0xF7A, s1;
	s8 =	simm.s32 @!p0 $0x1BF5;
	p2 =	por !p2, p0  }
0x20: {  	[sflag:s8] =	ssyncset.s32 @!p0 $0xFFFFF086;
	s6 =	sadd.s32 @!p0 s3, s7;
	s7 =	simm.s32 @!p0 $0x108  }
0x21: {  	s3 =	sadd.s32 s3, s9;
	s6 =	sadd.s32 @!p0 $0x88, s6;
	s7 =	simm.s32 @p2 $0x1082  }
0x22: {  	[simem:s7], [sflag:s8] =	dma.local @!p0 [hbm:s6], $0xF7A  }
0x23: {  	s9 =	sor.u32 $0xD0000000, s2;
	s6 =	simm.s32 $0x108;
	_ =	swait.ge @!p0 [sflag:s8], $0x0  }
0x24: {  	s3 =	sadd.s32 $0x88, s3;
	s6 =	simm.s32 @!p1 $0x1082;
	[sflag:s4] =	ssyncset.s32 $0xFFFFF086  }
0x25: {  	[simem:s6], [sflag:s4] =	dma.local [hbm:s3], $0xF7A  }
0x26: {  	[smem:$0x3F9D] =	sst s1;
	(tag) =	ssettag s2;
	_ =	strace s9  }
0x27: {  	s1 =	sld [smem:$0x3FAD]  }
0x28: {  	s2 =	sld [smem:$0x3FAE]  }
0x29: {  	s4 =	sld [smem:$0x3FB0]  }
0x2a: {  	p0 =	seq.s32 s5, $0x0;
	s5 =	sld [smem:$0x3FB1]  }
0x2b: {  	s6 =	sld [smem:$0x3FB2]  }
0x2c: {  	s7 =	sld [smem:$0x3FB3]  }
0x2d: {  	s3 =	simm.s32 $0x108;
	s8 =	sld [smem:$0x3FB4]  }
0x2e: {  	s3 =	simm.s32 @!p0 $0x1082;
	s9 =	sld [smem:$0x3FB5]  }
0x2f: {  	lr =	sadd.s32 s0, s3;
	s0 =	sld [smem:$0x3FAC]  }
0x30: {  	s3 =	sld [smem:$0x3FAF]  }
0x31: {  	[smem:$0x3FB8] =	sst s10  }
0x32: {  	s10 =	sld [smem:$0x3FB6];
	_ =	sdelay $0x3  }
0x33: {  	p0 =	seq.s32 s10, $0x1;
	s10 =	sld [smem:$0x3FB8];
	_ =	sdelay $0x3  }
0x34: {  	[smem:$0x3FB8] =	sst s10  }
0x35: {  	s10 =	sld [smem:$0x3FB7];
	_ =	sdelay $0x3  }
0x36: {  	p1 =	seq.s32 s10, $0x1;
	s10 =	sld [smem:$0x3FB8];
	_ =	sdelay $0x3  }
0x37: {  	[smem:$0x3FB8] =	sst s10  }
0x38: {  	s10 =	sld [smem:$0x3FB9]  }
0x39: {  	_ = 	snop;
	(pc) =	sbr.ind lr, $3  }
0x3a: {  	_ = 	snop  }
0x3b: {  	_ = 	snop  }
0x3c: {  	p2 =	seq.s32 s10, $0x1;
	s10 =	sld [smem:$0x3FB8]  }
0x3d: {  	_ =	shalt  }
0x3e: {  	_ =	shalt  }
0x3f: {  	_ =	shalt  }
0x40: {  	_ =	shalt  }
0x41: {  	_ =	shalt  }
0x42: {  	_ =	shalt  }
0x43: {  	_ =	shalt  }
0x44: {  	_ =	shalt  }
0x45: {  	_ =	shalt  }
0x46: {  	_ =	shalt  }
0x47: {  	_ =	shalt  }
0x48: {  	_ =	shalt  }
0x49: {  	_ =	shalt  }
0x4a: {  	_ =	shalt  }
0x4b: {  	_ =	shalt  }
0x4c: {  	_ =	shalt  }
0x4d: {  	_ =	shalt  }
0x4e: {  	_ =	shalt  }
0x4f: {  	_ =	shalt  }
0x50: {  	_ =	shalt  }
0x51: {  	_ =	shalt  }
0x52: {  	_ =	shalt  }
0x53: {  	_ =	shalt  }
0x54: {  	_ =	shalt  }
0x55: {  	_ =	shalt  }
0x56: {  	_ =	shalt  }
0x57: {  	_ =	shalt  }
0x58: {  	_ =	shalt  }
0x59: {  	_ =	shalt  }
0x5a: {  	_ =	shalt  }
0x5b: {  	_ =	shalt  }
0x5c: {  	_ =	shalt  }
0x5d: {  	_ =	shalt  }
0x5e: {  	_ =	shalt  }
0x5f: {  	_ =	shalt  }
0x60: {  	_ =	shalt  }
0x61: {  	_ =	shalt  }
0x62: {  	_ =	shalt  }
0x63: {  	_ =	shalt  }
0x64: {  	_ =	shalt  }
0x65: {  	_ =	shalt  }
0x66: {  	_ =	shalt  }
0x67: {  	_ =	shalt  }
0x68: {  	_ =	shalt  }
0x69: {  	_ =	shalt  }
0x6a: {  	_ =	shalt  }
0x6b: {  	_ =	shalt  }
0x6c: {  	_ =	shalt  }
0x6d: {  	_ =	shalt  }
0x6e: {  	_ =	shalt  }
0x6f: {  	_ =	shalt  }
0x70: {  	_ =	shalt  }
0x71: {  	_ =	shalt  }
0x72: {  	_ =	shalt  }
0x73: {  	_ =	shalt  }
0x74: {  	_ =	shalt  }
0x75: {  	_ =	shalt  }
0x76: {  	_ =	shalt  }
0x77: {  	_ =	shalt  }
0x78: {  	_ =	shalt  }
0x79: {  	_ =	shalt  }
0x7a: {  	_ =	shalt  }
0x7b: {  	_ =	shalt  }
0x7c: {  	_ =	shalt  }
0x7d: {  	_ =	shalt  }
0x7e: {  	_ =	shalt  }
0x7f: {  	_ =	shalt  }
0x80: {  	_ =	shalt  }
0x81: {  	_ =	shalt  }
0x82: {  	_ =	shalt  }
0x83: {  	_ =	shalt  }
0x84: {  	_ =	shalt  }
0x85: {  	_ =	shalt  }
0x86: {  	_ =	shalt  }
0x87: {  	_ =	shalt  }
.Lfunc_end0:
.L_simem_size_0:
called_computation.1_lowered:
.L_overlay_start_0:
0x88: {  	s2 =	sld [smem:$0x3FD9]  }
0x89: {  	s3 =	sld [smem:$0x3FFE];
	_ =	sdelay $0x1  }
0x8a: {  	s1 =	srdreg.scid  }
0x8b: {  	s0 =	sand.u32 $0x1, s1  }
0x8c: {  	s17 =	sshll.u32 s0, $0xA;
	s2 =	sadd.s32 s3, s2  }
0x8d: {  	s2 =	sadd.s32 s2, s17  }
0x8e: {  	[smem:$0x3FC4] =	sst s2  }
0x8f: {  	_ = 	snop  }
0x90: {  	s2 =	sld [smem:$0x3FD0];
	(tm) =	ssettm $0x1  }
0x91: {  	s18 =	sld [smem:$0x3FFB];
	_ =	sdelay $0x3  }
0x92: {  	_ =	strace s18  }
0x93: {  	s3 =	sld [smem:$0x3FFC];
	_ =	sdelay $0x3  }
0x94: {  	_ =	strace s3  }
0x95: {  	s3 =	sld [smem:$0x3FFD];
	_ =	sdelay $0x3  }
0x96: {  	_ =	strace s3  }
0x97: {  	_ =	strace $0x8FFFFFFF  }
0x98: {  	s19 =	sld [smem:$0x3FDB];
	_ =	sdelay $0x1  }
0x99: {  	s4 =	simm.s32 $_scs_section_size  }
0x9a: {  	s5 =	simm.s32 $_size__tile_overlayer_lowered;
	s6 =	simm.s32 $_tile_overlayer_lowered  }
0x9b: {  	s22 =	simm.s32 $0x1BFF;
	s21 =	sshll.u32 s6, $0x1;
	s3 =	sadd.s32 s4, s19  }
0x9c: {  	s7 =	simm.s32 $0x0;
	s20 =	sshll.u32 s5, $0x1;
	s5 =	sadd.s32 s21, s3  }
0x9d: {  	[timem:s7], [sflag:s22] =	dma.local [hbm:s5], s20  }
0x9e: {  	_ =	swait.ge [sflag:s22], s20  }
0x9f: {  	s4 =	ssub.s32 $0x0, s20;
	[sflag:s22] =	ssyncset.done $0x0  }
0xa0: {  	[sflag:s22] =	ssyncadd.s32 s4;
	_ =	sdelay $0x1  }
0xa1: {  	s23 =	simm.s32 $0x1B8B  }
0xa2: {  	_ =	swait.ge [sflag:s23], $0x1  }
0xa3: {  	[sflag:s23] =	ssyncset.done $0x0  }
0xa4: {  	s25 =	simm.s32 $0x1B8E;
	s24 =	sld [smem:$0x3FFE];
	[sflag:s23] =	ssyncadd.s32 $0xFFFFFFFF  }
0xa5: {  	s26 =	simm.s32 $execute0_lowered;
	[smem:$0x3FD2] =	sst s25  }
0xa6: {  	s5 =	sshll.u32 s26, $0x1;
	_ =	strace $0x80000049;
	[dreg:$0x1] =	wrdreg $0xFFFFFFFF  }
0xa7: {  	s28 =	simm.s32 $_size_execute0_lowered;
	s3 =	sadd.s32 s3, s5;
	[dreg:$0x0] =	wrdreg $0x0  }
0xa8: {  	s5 =	sshll.u32 s28, $0x1;
	[dreg:$0x2] =	wrdreg s3  }
0xa9: {  	[dreg:$0x3] =	wrdreg s5  }
0xaa: {  	[dreg:$0x4] =	wrdreg $0xC0  }
0xab: {  	_ =	task [dreg:s7], $0x5FFFF  }
0xac: {  	[dreg:$0x1] =	wrdreg $0xFFFFFFFF  }
0xad: {  	[dreg:$0x0] =	wrdreg $0x60  }
0xae: {  	[dreg:$0x2] =	wrdreg s24  }
0xaf: {  	[dreg:$0x3] =	wrdreg s2  }
0xb0: {  	[dreg:$0x4] =	wrdreg $0x8B000  }
0xb1: {  	[dreg:$0x5] =	wrdreg $0x9  }
0xb2: {  	_ =	task.clear_ibuf [dreg:s7], $0x6FFFF;
	_ =	strace $0x90000049  }
0xb3: {  	s29 =	simm.s32 $0x9;
	_ =	strace $0x8000004B  }
0xb4: {  	_ =	swait.ge [sflag:s29], $0x1  }
0xb5: {  	[sflag:s29] =	ssyncadd.s32 $0xFFFFFFFF  }
0xb6: {  	_ =	strace $0x9000004B  }
0xb7: {  	_ =	sfence  }
0xb8: {  	s30 =	sld [smem:$0x0];
	_ =	sdelay $0x2  }
0xb9: {  	s31 =	sshll.u32 s1, $0xD;
	s1 =	sshrl.u32 s1, $0x2  }
0xba: {  	s3 =	sand.u32 $0x4000, s31;
	s1 =	sadd.s32 s1, s30  }
0xbb: {  	s0 =	sor.u32 s3, s0;
	s1 =	sshll.u32 s1, $0x11  }
0xbc: {  	s0 =	sor.u32 s1, s0  }
0xbd: {  	s0 =	sadd.s32 $0x8F2B, s0  }
0xbe: {  	[sflag:s0] =	ssyncadd.remote.s32 $0x1  }
0xbf: {  	_ =	sfence.sel $0xFFFF  }
0xc0: {  	[dreg:$0x0] =	wrdreg $0xFFFFFFFF;
	(pc) =	sbr.abs _section_cstart, $3  }
0xc1: {  	[dreg:$0x1] =	wrdreg $0xFFFFFFFF  }
0xc2: {  	_ =	task.clear_ibuf [dreg:s7], $0x2FFFF;
	_ =	strace $0x9FFFFFFF  }
0xc3: {  	(tm) =	ssettm $0x7FFFFFFF  }
tec
execute0_lowered:
.L_overlay_start_1:
0x0: {  	(tag) =	ssettag $0x1  }
0x1: {  	s0 =	rddreg [dreg:$0x0]  }
0x2: {  	s1 =	rddreg [dreg:$0x1]  }
0x3: {  	s2 =	rddreg [dreg:$0x2];
	s3 =	simm.s32 $0x0;
	s4 =	stileid.u32  }
0x4: {  	s8 =	srdreg.scid;
	s28 =	simm.s32 $0x8280;
	s29 =	simm.s32 $0x10  }
0x5: {  	s30 =	simm.s32 $0x8300;
	s31 =	simm.s32 $0x0;
	[smem:$0x7FF] =	sst s3  }
0x6: {  	s5 =	smul.u32 $0x13800, s4;
	s7 =	sadd.s32 $0xB200, s0;
	s16 =	sadd.s32 $0x1400, s0  }
0x7: {  	s8 =	sand.u32 $0x1, s8;
	s10 =	sshll.u32 s4, $0x1;
	s11 =	smul.u32 $0x4E000, s4  }
0x8: {  	s12 =	sadd.s32 $0x3C200, s0;
	s17 =	sshll.u32 s4, $0x6;
	s20 =	sadd.s32 $0x138000, s2  }
0x9: {  	s14 =	smul.u32 $0x4E20, s4;
	p0 =	sne.s32 s4, $0x0;
	_ =	strace $0x8000004A  }
0xa: {  	s9 =	ssub.s32 $0x2, s8;
	s10 =	sor.u32 s8, s10;
	s19 =	smul.u32 $0x138800, s8  }
0xb: {  	[dreg:$0x6] =	wrdreg s20;
	s23 =	smul.u32 $0x2710, s8;
	s20 =	simm.s32 $0x80  }
0xc: {  	s6 =	sshrl.u32 s5, $0x3;
	s13 =	sshrl.u32 s9, $0x1;
	s15 =	sshrl.u32 s11, $0x2  }
0xd: {  	s10 =	smul.u32 $0x2710, s10;
	s6 =	sadd.s32 s6, s0;
	s13 =	ssub.s32 s9, s13  }
0xe: {  	s9 =	sadd.s32 s15, s2;
	s0 =	sadd.s32 $0x3C000, s0;
	s5 =	sadd.s32 s5, s19  }
0xf: {  	s25 =	sshrl.u32 s19, $0x3;
	s19 =	simm.s32 $0x100;
	[dreg:$0x4] =	wrdreg s9  }
0x10: {  	s6 =	sadd.s32 $0x15000, s6;
	s18 =	sshrl.u32 s10, $0x3;
	[dreg:$0x7] =	wrdreg s0  }
0x11: {  	s5 =	sshrl.u32 s5, $0x3;
	s8 =	sadd.s32 s12, s25;
	s0 =	sadd.s32 s23, s14  }
0x12: {  	s13 =	smax.u32 s13, $0x1;
	s23 =	simm.s32 $0x4200;
	s25 =	simm.s32 $0x2  }
0x13: {  	[dreg:$0x5] =	wrdreg s6;
	s6 =	sor.u32 $0x1C03, s17;
	s21 =	sadd.s32 $0x4E0, s18  }
0x14: {  	s11 =	sadd.s32 s12, s5;
	s12 =	sadd.s32 $0x27000, s8;
	s26 =	sadd.s32 $0x80, s0  }
0x15: {  	s0 =	sshrl.u32 s0, $0x3;
	s18 =	simm.s32 $0x3;
	s22 =	sadd.s32 s7, s21  }
0x16: {  	s24 =	sadd.s32 s16, s21;
	s5 =	sshrl.u32 s26, $0x3;
	s17 =	sadd.s32 s0, s7  }
0x17: {  	s21 =	simm.s32 $0x180;
	s26 =	simm.s32 $0x8200;
	[dreg:$0x8] =	wrdreg s22  }
0x18: {  	[dreg:$0x9] =	wrdreg s24;
	s14 =	sadd.s32 s5, s16;
	s15 =	sadd.s32 s5, s7  }
0x19: {  	s16 =	sadd.s32 s0, s16;
	s22 =	simm.s32 $0x200;
	s24 =	simm.s32 $0x1  }
.LBB2_1:
0x1a: {  	s0 =	rddreg [dreg:$0x4]  }
0x1b: {  	s4 =	rddreg [dreg:$0x5];
	s0 =	sshrl.u32 s0, $0x3  }
0x1c: {  	[spmem:s0], [sflag:s6] =	dma.local [hbm:s4], $0x2700  }
0x1d: {  	_ =	swait.ge [sflag:s18], $0x2700  }
0x1e: {  	[sflag:s18] =	ssyncset.done $0x0;
	s4 =	rddreg [dreg:$0x6]  }
0x1f: {  	s5 =	rddreg [dreg:$0x7];
	[sflag:s18] =	ssyncadd.s32 $0xFFFFD900;
	s4 =	sshrl.u32 @!p0 s4, $0x3  }
0x20: {  	[spmem:s4], [sflag:s6] =	dma.local @!p0 [hbm:s5], $0x100  }
0x21: {  	s5 =	simm.s32 @!p0 $0x3  }
0x22: {  	_ =	swait.ge @!p0 [sflag:s5], $0x100  }
0x23: {  	[sflag:s5] =	ssyncset.done @!p0 $0x0  }
0x24: {  	[sflag:s5] =	ssyncadd.s32 @!p0 $0xFFFFFF00  }
0x25: {  	s7 =	sadd.s32 $0x0, s17;
	[bflag:$0x0] =	sbarrier.arrive $0xFFFF  }
0x26: {  	[tilespmem:s3], [sflag:$0x3] =	stream.linear.gather [hbm4b:s7+s3], $0x80, $0x38;
	[tilespmem:$0x1C380] =	vst v63  }
0x27: {  	_ =	swait.ge [sflag:s18], $0x80  }
0x28: {  	[sflag:s18] =	ssyncset.done $0x0  }
0x29: {  	s8 =	sadd.s32 $0x0, s16;
	[sflag:s18] =	ssyncadd.s32 $0xFFFFFF80  }
0x2a: {  	[tilespmem:s19], [sflag:$0x3] =	stream.linear.gather [hbm4b:s8+s3], $0x80, $0x38;
	[tilespmem:$0x1C380] =	vst v63  }
0x2b: {  	_ =	swait.ge [sflag:s18], $0x80  }
0x2c: {  	[sflag:s18] =	ssyncset.done $0x0  }
0x2d: {  	s9 =	sadd.s32 $0x0, s15;
	[sflag:s18] =	ssyncadd.s32 $0xFFFFFF80  }
0x2e: {  	[tilespmem:s20], [sflag:$0x3] =	stream.linear.gather [hbm4b:s9+s3], $0x80, $0x38;
	[tilespmem:$0x1C380] =	vst v63  }
0x2f: {  	_ =	swait.ge [sflag:s18], $0x80  }
0x30: {  	[sflag:s18] =	ssyncset.done $0x0  }
0x31: {  	s10 =	sadd.s32 $0x0, s14;
	[sflag:s18] =	ssyncadd.s32 $0xFFFFFF80  }
0x32: {  	[tilespmem:s21], [sflag:$0x3] =	stream.linear.gather [hbm4b:s10+s3], $0x80, $0x38;
	[tilespmem:$0x1C380] =	vst v63  }
0x33: {  	_ =	swait.ge [sflag:s18], $0x80  }
0x34: {  	[sflag:s18] =	ssyncset.done $0x0  }
0x35: {  	[sflag:s18] =	ssyncadd.s32 $0xFFFFFF80  }
0x36: {  	[tilespmem:s22], [sflag:$0x1] =	stream.indirect.gather [hbm4b:s1+s20], $0x80, s3, s20, $0xb8;
	[tilespmem:$0x1C380] =	vst v63  }
0x37: {  	_ = 	snop  }
0x38: {  	[tilespmem:s23], [sflag:$0x2] =	stream.indirect.gather [hbm4b:s1+s20], $0x80, s20, s20, $0xb8;
	[tilespmem:$0x1C380] =	vst v63  }
0x39: {  	_ =	swait.ge [sflag:s24], $0x4000  }
0x3a: {  	[sflag:s24] =	ssyncset.done $0x0  }
0x3b: {  	[sflag:s24] =	ssyncadd.s32 $0xFFFFC000  }
0x3c: {  	[spmem:s2] =	stream.indirect.scatter.add.f32 [tilespmem:s22], [sflag:$0x3], $0x80, s19, s20, $0xb8;
	[tilespmem:$0x1C380] =	vst v63  }
0x3d: {  	_ =	swait.ge [sflag:s18], $0x4000  }
0x3e: {  	[sflag:s18] =	ssyncset.done $0x0  }
0x3f: {  	[sflag:s18] =	ssyncadd.s32 $0xFFFFC000  }
0x40: {  	_ =	swait.ge [sflag:s25], $0x4000  }
0x41: {  	[sflag:s25] =	ssyncset.done $0x0  }
0x42: {  	[sflag:s25] =	ssyncadd.s32 $0xFFFFC000  }
0x43: {  	[spmem:s2] =	stream.indirect.scatter.add.f32 [tilespmem:s23], [sflag:$0x3], $0x80, s21, s20, $0xb8;
	[tilespmem:$0x1C380] =	vst v63  }
0x44: {  	_ =	swait.ge [sflag:s18], $0x4000  }
0x45: {  	s5 =	simm.s32 $0x20;
	s7 =	simm.s32 $0x40;
	[sflag:s18] =	ssyncset.done $0x0  }
.LBB2_2:
0x46: {  	s9 =	sadd.s32 s5, s17  }
0x47: {  	[sflag:s18] =	ssyncadd.s32 $0xFFFFC000;
	s10 =	smov.u32 s7;
	s8 =	sadd.s32 $0x20, s7  }
0x48: {  	[tilespmem:s3], [sflag:$0x3] =	stream.linear.gather [hbm4b:s9+s3], $0x80, $0x38;
	[tilespmem:$0x1C380] =	vst v63  }
0x49: {  	p1 =	sne.s32 s7, $0x4C0;
	_ =	swait.ge [sflag:s18], $0x80  }
0x4a: {  	[sflag:s18] =	ssyncset.done $0x0  }
0x4b: {  	s7 =	sadd.s32 s5, s16;
	[sflag:s18] =	ssyncadd.s32 $0xFFFFFF80  }
0x4c: {  	[tilespmem:s19], [sflag:$0x3] =	stream.linear.gather [hbm4b:s7+s3], $0x80, $0x38;
	[tilespmem:$0x1C380] =	vst v63  }
0x4d: {  	_ =	swait.ge [sflag:s18], $0x80  }
0x4e: {  	[sflag:s18] =	ssyncset.done $0x0  }
0x4f: {  	s7 =	sadd.s32 s5, s15;
	[sflag:s18] =	ssyncadd.s32 $0xFFFFFF80  }
0x50: {  	[tilespmem:s20], [sflag:$0x3] =	stream.linear.gather [hbm4b:s7+s3], $0x80, $0x38;
	[tilespmem:$0x1C380] =	vst v63  }
0x51: {  	_ =	swait.ge [sflag:s18], $0x80  }
0x52: {  	[sflag:s18] =	ssyncset.done $0x0  }
0x53: {  	s7 =	sadd.s32 s5, s14;
	s5 =	smov.u32 s10;
	[sflag:s18] =	ssyncadd.s32 $0xFFFFFF80  }
0x54: {  	[tilespmem:s21], [sflag:$0x3] =	stream.linear.gather [hbm4b:s7+s3], $0x80, $0x38;
	[tilespmem:$0x1C380] =	vst v63  }
0x55: {  	_ =	swait.ge [sflag:s18], $0x80  }
0x56: {  	[sflag:s18] =	ssyncset.done $0x0  }
0x57: {  	[sflag:s18] =	ssyncadd.s32 $0xFFFFFF80  }
0x58: {  	[tilespmem:s22], [sflag:$0x1] =	stream.indirect.gather [hbm4b:s1+s20], $0x80, s3, s20, $0xb8;
	[tilespmem:$0x1C380] =	vst v63  }
0x59: {  	_ = 	snop  }
0x5a: {  	[tilespmem:s23], [sflag:$0x2] =	stream.indirect.gather [hbm4b:s1+s20], $0x80, s20, s20, $0xb8;
	[tilespmem:$0x1C380] =	vst v63  }
0x5b: {  	_ =	swait.ge [sflag:s24], $0x4000  }
0x5c: {  	[sflag:s24] =	ssyncset.done $0x0  }
0x5d: {  	[sflag:s24] =	ssyncadd.s32 $0xFFFFC000  }
0x5e: {  	[spmem:s2] =	stream.indirect.scatter.add.f32 [tilespmem:s22], [sflag:$0x3], $0x80, s19, s20, $0xb8;
	[tilespmem:$0x1C380] =	vst v63  }
0x5f: {  	_ =	swait.ge [sflag:s18], $0x4000  }
0x60: {  	[sflag:s18] =	ssyncset.done $0x0  }
0x61: {  	[sflag:s18] =	ssyncadd.s32 $0xFFFFC000  }
0x62: {  	_ =	swait.ge [sflag:s25], $0x4000  }
.Ltmp0:
0x63: {  	[sflag:s25] =	ssyncset.done $0x0;
	(pc) =	sbr.rel @p1 .LBB2_2-.Ltmp0, $4  }
0x64: {  	[sflag:s25] =	ssyncadd.s32 $0xFFFFC000  }
0x65: {  	[spmem:s2] =	stream.indirect.scatter.add.f32 [tilespmem:s23], [sflag:$0x3], $0x80, s21, s20, $0xb8;
	[tilespmem:$0x1C380] =	vst v63  }
0x66: {  	_ =	swait.ge [sflag:s18], $0x4000  }
0x67: {  	s7 =	smov.u32 s8;
	[sflag:s18] =	ssyncset.done $0x0  }
0x68: {  	s7 =	sadd.s32 s5, s17;
	[sflag:s18] =	ssyncadd.s32 $0xFFFFC000  }
0x69: {  	[tilespmem:s3], [sflag:$0x3] =	stream.linear.gather [hbm4b:s7+s3], $0x80, $0x38;
	[tilespmem:$0x1C380] =	vst v63  }
0x6a: {  	_ =	swait.ge [sflag:s18], $0x80  }
0x6b: {  	[sflag:s18] =	ssyncset.done $0x0  }
0x6c: {  	s9 =	sadd.s32 s5, s16;
	[sflag:s18] =	ssyncadd.s32 $0xFFFFFF80  }
0x6d: {  	[tilespmem:s19], [sflag:$0x3] =	stream.linear.gather [hbm4b:s9+s3], $0x80, $0x38;
	[tilespmem:$0x1C380] =	vst v63  }
0x6e: {  	_ =	swait.ge [sflag:s18], $0x80  }
0x6f: {  	[sflag:s18] =	ssyncset.done $0x0  }
0x70: {  	s10 =	sadd.s32 s5, s15;
	[sflag:s18] =	ssyncadd.s32 $0xFFFFFF80  }
0x71: {  	[tilespmem:s20], [sflag:$0x3] =	stream.linear.gather [hbm4b:s10+s3], $0x80, $0x38;
	[tilespmem:$0x1C380] =	vst v63  }
0x72: {  	_ =	swait.ge [sflag:s18], $0x80  }
0x73: {  	[sflag:s18] =	ssyncset.done $0x0  }
0x74: {  	s8 =	sadd.s32 s5, s14;
	[sflag:s18] =	ssyncadd.s32 $0xFFFFFF80  }
0x75: {  	[tilespmem:s21], [sflag:$0x3] =	stream.linear.gather [hbm4b:s8+s3], $0x80, $0x38;
	[tilespmem:$0x1C380] =	vst v63  }
0x76: {  	_ =	swait.ge [sflag:s18], $0x80  }
0x77: {  	[sflag:s18] =	ssyncset.done $0x0  }
0x78: {  	[sflag:s18] =	ssyncadd.s32 $0xFFFFFF80  }
0x79: {  	[tilespmem:s22], [sflag:$0x1] =	stream.indirect.gather [hbm4b:s1+s20], $0x80, s3, s20, $0xb8;
	[tilespmem:$0x1C380] =	vst v63  }
0x7a: {  	_ = 	snop  }
0x7b: {  	[tilespmem:s23], [sflag:$0x2] =	stream.indirect.gather [hbm4b:s1+s20], $0x80, s20, s20, $0xb8;
	[tilespmem:$0x1C380] =	vst v63  }
0x7c: {  	_ =	swait.ge [sflag:s24], $0x4000  }
0x7d: {  	[sflag:s24] =	ssyncset.done $0x0  }
0x7e: {  	[sflag:s24] =	ssyncadd.s32 $0xFFFFC000  }
0x7f: {  	[spmem:s2] =	stream.indirect.scatter.add.f32 [tilespmem:s22], [sflag:$0x3], $0x80, s19, s20, $0xb8;
	[tilespmem:$0x1C380] =	vst v63  }
0x80: {  	_ =	swait.ge [sflag:s18], $0x4000  }
0x81: {  	[sflag:s18] =	ssyncset.done $0x0  }
0x82: {  	[sflag:s18] =	ssyncadd.s32 $0xFFFFC000  }
0x83: {  	_ =	swait.ge [sflag:s25], $0x4000  }
0x84: {  	[sflag:s25] =	ssyncset.done $0x0  }
0x85: {  	[sflag:s25] =	ssyncadd.s32 $0xFFFFC000  }
0x86: {  	[spmem:s2] =	stream.indirect.scatter.add.f32 [tilespmem:s23], [sflag:$0x3], $0x80, s21, s20, $0xb8;
	[tilespmem:$0x1C380] =	vst v63  }
0x87: {  	_ =	swait.ge [sflag:s18], $0x4000  }
0x88: {  	[sflag:s18] =	ssyncset.done $0x0  }
0x89: {  	s9 =	rddreg [dreg:$0x8];
	[sflag:s18] =	ssyncadd.s32 $0xFFFFC000  }
0x8a: {  	[tilespmem:s26], [sflag:$0x3] =	stream.linear.gather [hbm4b:s9+s3], $0x10, $0x38;
	[tilespmem:$0x1C380] =	vst v63  }
0x8b: {  	_ =	swait.ge [sflag:s18], $0x10  }
0x8c: {  	[sflag:s18] =	ssyncset.done $0x0  }
0x8d: {  	s10 =	rddreg [dreg:$0x9];
	[sflag:s18] =	ssyncadd.s32 $0xFFFFFFF0  }
0x8e: {  	[tilespmem:s28], [sflag:$0x3] =	stream.linear.gather [hbm4b:s10+s3], $0x10, $0x38;
	[tilespmem:$0x1C380] =	vst v63  }
0x8f: {  	_ =	swait.ge [sflag:s18], $0x10  }
0x90: {  	[sflag:s18] =	ssyncset.done $0x0  }
0x91: {  	[sflag:s18] =	ssyncadd.s32 $0xFFFFFFF0  }
0x92: {  	[tilespmem:s30], [sflag:$0x1] =	stream.indirect.gather [hbm4b:s1+s29], $0x80, s26, s29, $0xb8;
	[tilespmem:$0x1C380] =	vst v63  }
0x93: {  	_ =	swait.ge [sflag:s24], $0x800  }
0x94: {  	[sflag:s24] =	ssyncset.done $0x0  }
0x95: {  	[sflag:s24] =	ssyncadd.s32 $0xFFFFF800  }
0x96: {  	[spmem:s2] =	stream.indirect.scatter.add.f32 [tilespmem:s30], [sflag:$0x3], $0x80, s28, s29, $0xb8;
	[tilespmem:$0x1C380] =	vst v63  }
0x97: {  	_ =	swait.ge [sflag:s18], $0x800  }
0x98: {  	[sflag:s18] =	ssyncset.done $0x0  }
0x99: {  	[sflag:s18] =	ssyncadd.s32 $0xFFFFF800  }
0x9a: {  	[bflag:$0x0] =	sbarrier.arrive $0xFFFF  }
0x9b: {  	[hbm:s11], [sflag:s6] =	dma.local [spmem:s0], $0x2700  }
0x9c: {  	s31 =	sadd.s32 $0x1, s31;
	_ =	swait.ge [sflag:s18], $0x2700  }
0x9d: {  	p1 =	sne.s32 s31, s13;
	[sflag:s18] =	ssyncset.done $0x0  }
.Ltmp1:
0x9e: {  	s0 =	simm.s32 @!p0 $0x3;
	[sflag:s18] =	ssyncadd.s32 $0xFFFFD900;
	(pc) =	sbr.rel @p1 .LBB2_1-.Ltmp1, $4  }
0x9f: {  	[hbm:s12], [sflag:s6] =	dma.local @!p0 [spmem:s4], $0x100  }
0xa0: {  	_ =	swait.ge @!p0 [sflag:s0], $0x100  }
0xa1: {  	[sflag:s0] =	ssyncset.done @!p0 $0x0  }
0xa2: {  	[sflag:s0] =	ssyncadd.s32 @!p0 $0xFFFFFF00  }
0xa3: {  	_ =	sfence.sel $0x180000  }
0xa4: {  	[bflag:$0x0] =	sbarrier.arrive $0xFFFF  }
0xa5: {  	_ =	strace $0x9000004A  }
0xa6: {  	[bflag:$0x2] =	sbarrier.arrive $0xFFFF  }
0xa7: {  	s0 =	rddreg [dreg:$0x3]  }
0xa8: {  	s0 =	sadd.s32 @!p0 $0x100000, s0  }
0xa9: {  	[sflag:s0] =	ssyncadd.tile.s32 @!p0 $0x1;
	_ =	shalt  }
.Lfunc_end2:
_tile_overlayer_lowered:
.L_overlay_start_2:
0xaa: {  	(tag) =	ssettag $0x2  }
0xab: {  	s0 =	rddreg [dreg:$0x0];
	s2 =	stileid.u32  }
0xac: {  	s1 =	rddreg [dreg:$0x1];
	p0 =	sne.s32 s2, $0x0  }
0xad: {  	s3 =	rddreg [dreg:$0x2];
	[bflag:$0x3] =	sbarrier.arrive $0xFFFF;
	s2 =	simm.s32 @!p0 $0x1C03  }
0xae: {  	[timem:s3], [sflag:s2] =	dma.local @!p0 [hbm:s0], s1  }
0xaf: {  	s0 =	simm.s32 @!p0 $0x3  }
0xb0: {  	_ =	swait.ge @!p0 [sflag:s0], s1  }
0xb1: {  	s1 =	ssub.s32 @!p0 $0x0, s1;
	[sflag:s0] =	ssyncset.done @!p0 $0x0  }
0xb2: {  	[sflag:s0] =	ssyncadd.s32 @!p0 s1  }
0xb3: {  	[bflag:$0x3] =	sbarrier.arrive $0xFFFF  }
0xb4: {  	_ =	shalt  }

</sc_bundles>
